<compile_context>
chip_gen: v7x
topology: tpu7x:2x2x1
jax: 0.10.2.dev20260603
libtpu: 0.0.44.dev20260713+nightly
codegen_flags: <defaults>
</compile_context>

<pallas_src>
import functools

import jax
import jax.numpy as jnp
from jax import lax
from jax.experimental import pallas as pl
from jax.experimental.pallas import tpu as pltpu
from jax.experimental.pallas import tpu_sc as plsc

NC = 2
NS = 16
NW = NC * NS
CH = 128
M = 5
K = 2


def _build(B, D, n_ch):
    mesh = plsc.VectorSubcoreMesh(core_axis_name="c", subcore_axis_name="s")
    b_per_w = n_ch * CH
    n_groups = n_ch // M

    @functools.partial(
        pl.kernel,
        out_type=jax.ShapeDtypeStruct((B, D), jnp.float32),
        mesh=mesh,
        scratch_types=[
            pltpu.VMEM((n_ch, CH), jnp.int32),
            pltpu.VMEM((M, CH, D), jnp.float32),
        ]
        + [pltpu.SemaphoreType.DMA] * (2 * M),
    )
    def k(idx_hbm, table_hbm, out_hbm, idx_v, rows_v, *sems):
        gsem, wsem = sems[:M], sems[M:]
        wid = lax.axis_index("s") * NC + lax.axis_index("c")
        base = wid * b_per_w
        pltpu.sync_copy(idx_hbm.at[wid], idx_v)

        def start_gather(j, b):
            pltpu.async_copy(table_hbm.at[idx_v.at[j]], rows_v.at[b], gsem[b])

        def wait_gather(b):
            pltpu.make_async_copy(
                table_hbm.at[pl.ds(0, CH)], rows_v.at[b], gsem[b]
            ).wait()

        def start_wb(j, b):
            pltpu.async_copy(
                rows_v.at[b], out_hbm.at[pl.ds(base + j * CH, CH)], wsem[b]
            )

        def wait_wb(b):
            pltpu.make_async_copy(
                rows_v.at[b], out_hbm.at[pl.ds(0, CH)], wsem[b]
            ).wait()

        for j in range(K):
            start_gather(j, j)

        for b in range(M):
            wait_gather(b)
            start_wb(b, b)
            bk = (b + K) % M
            if b + K < M:
                start_gather(b + K, bk)
            else:
                wait_wb(bk)
                start_gather(b + K, bk)

        def body(g, carry):
            j0 = g * M
            for b in range(M):
                wait_gather(b)
                start_wb(j0 + b, b)
                bk = (b + K) % M
                wait_wb(bk)
                start_gather(j0 + b + K, bk)
            return carry

        lax.fori_loop(1, n_groups - 1, body, 0)

        j0 = (n_groups - 1) * M
        for b in range(M):
            wait_gather(b)
            start_wb(j0 + b, b)
            if b + K < M:
                bk = b + K
                wait_wb(bk)
                start_gather(j0 + b + K, bk)
        for b in range(M):
            wait_wb(b)

    return k


def kernel(x, table):
    batch, seq = x.shape
    vocab, D = table.shape
    B = batch * seq
    n_ch = B // (NW * CH)
    idx3 = x.reshape(NW, n_ch, CH).astype(jnp.int32)
    out = _build(B, D, n_ch)(idx3, table)
    return out.reshape(batch, seq, D)

# --- scband reference (transcript-rebuilt; emitter-appended) ---
"""Pipeline reference for scband-positional-encoding-56538949484937 (READ-ONLY COPY).

The authoritative reference and input builder live on the scoring server;
editing this copy changes nothing except your own understanding.
"""

import jax, jax.numpy as jnp
import numpy as np

VOCAB_SIZE = 100000
EMBED_SIZE = 128
WINDOW_SIZE = 200
BATCH = 4096
SEQ = 200


def setup_inputs(seed: int = 0) -> dict:
    key = jax.random.key(seed)
    k1, k2 = jax.random.split(key)
    x = jax.random.randint(k1, (BATCH, SEQ), 0, VOCAB_SIZE, dtype=jnp.int64 if jax.config.jax_enable_x64 else jnp.int32)
    table = jax.random.normal(k2, (VOCAB_SIZE, EMBED_SIZE), dtype=jnp.float32) * 0.05
    return {"x": x, "table": table}


def reference(x, table):
    # Faithful to the Keras module: call() only performs the embedding lookup
    # (the precomputed positional encoding is constructed in __init__ but never
    # added in call, so the output is just the embedding).
    # mask_zero=True affects only the Keras mask, not the returned values.
    embeddings = jnp.take(table, x, axis=0)
    return embeddings

if __name__ == "__main__":
    import jax
    _d = setup_inputs()
    print(jax.jit(kernel)(*tuple(_d.values())))

</pallas_src>

<mosaic_0001>
#map = affine_map<(d0, d1) -> (0, 0, 0)>
#map1 = affine_map<(d0, d1) -> (0, 0)>
module attributes {stable_mosaic.version = 14 : i64} {
  func.func @k(%arg0: i32, %arg1: i32, %arg2: memref<32x200x128xi32, #tpu.memory_space<hbm>>, %arg3: memref<100000x128xf32, #tpu.memory_space<hbm>>, %arg4: memref<819200x128xf32, #tpu.memory_space<hbm>>, %arg5: memref<200x128xi32, #tpu.memory_space<vmem>>, %arg6: memref<5x128x128xf32, #tpu.memory_space<vmem>>, %arg7: memref<!tpu.dma_semaphore, #tpu.memory_space<semaphore_mem>>, %arg8: memref<!tpu.dma_semaphore, #tpu.memory_space<semaphore_mem>>, %arg9: memref<!tpu.dma_semaphore, #tpu.memory_space<semaphore_mem>>, %arg10: memref<!tpu.dma_semaphore, #tpu.memory_space<semaphore_mem>>, %arg11: memref<!tpu.dma_semaphore, #tpu.memory_space<semaphore_mem>>, %arg12: memref<!tpu.dma_semaphore, #tpu.memory_space<semaphore_mem>>, %arg13: memref<!tpu.dma_semaphore, #tpu.memory_space<semaphore_mem>>, %arg14: memref<!tpu.dma_semaphore, #tpu.memory_space<semaphore_mem>>, %arg15: memref<!tpu.dma_semaphore, #tpu.memory_space<semaphore_mem>>, %arg16: memref<!tpu.dma_semaphore, #tpu.memory_space<semaphore_mem>>) attributes {dimension_semantics = [#tpu.dimension_semantics<core_parallel>, #tpu.dimension_semantics<subcore_parallel>], iteration_bounds = array<i64: 2, 16>, scalar_prefetch = 0 : i64, scratch_operands = 12 : i64, tpu.core_type = #tpu.core_type<sc_vector_subcore>, window_params = [{transform_indices = #map}, {transform_indices = #map1}, {transform_indices = #map1}]} {
    %mul3A = arith.constant 2 : i32
    %mul3A_0 = arith.muli %arg1, %mul3A : i32
    %add3A = arith.addi %mul3A_0, %arg0 : i32
    %mul3A_1 = arith.constant 25600 : i32
    %mul3A_2 = arith.muli %add3A, %mul3A_1 : i32
    "tpu.region"() ({
      %run_scoped3A = tpu.sem_alloc : memref<!tpu.dma_semaphore, #tpu.memory_space<semaphore_mem>>
      %dma_start3A_576 = arith.constant 0 : i32
      %dma_start3A_577 = arith.constant 0 : i32
      %dma_start3A_578 = tpu.memref_slice %arg2[%add3A, %dma_start3A_576, %dma_start3A_577] : memref<32x200x128xi32, #tpu.memory_space<hbm>> -> memref<1x200x128xi32, #tpu.memory_space<hbm>>
      %dma_start3A_579 = tpu.memref_squeeze %dma_start3A_578 : memref<1x200x128xi32, #tpu.memory_space<hbm>> -> memref<200x128xi32, #tpu.memory_space<hbm>>
      %dma_start3A_580 = arith.constant 0 : i32
      %dma_start3A_581 = arith.constant 0 : i32
      %dma_start3A_582 = tpu.memref_slice %arg2[%add3A, %dma_start3A_580, %dma_start3A_581] : memref<32x200x128xi32, #tpu.memory_space<hbm>> -> memref<1x200x128xi32, #tpu.memory_space<hbm>>
      %dma_start3A_583 = tpu.memref_squeeze %dma_start3A_582 : memref<1x200x128xi32, #tpu.memory_space<hbm>> -> memref<200x128xi32, #tpu.memory_space<hbm>>
      tpu.enqueue_dma source(%dma_start3A_583 : memref<200x128xi32, #tpu.memory_space<hbm>>) target(%arg5 : memref<200x128xi32, #tpu.memory_space<vmem>>) target_semaphore(%run_scoped3A : memref<!tpu.dma_semaphore, #tpu.memory_space<semaphore_mem>>)
      %dma_wait3A_584 = arith.constant 0 : i32
      %dma_wait3A_585 = arith.constant 0 : i32
      %dma_wait3A_586 = tpu.memref_slice %arg2[%add3A, %dma_wait3A_584, %dma_wait3A_585] : memref<32x200x128xi32, #tpu.memory_space<hbm>> -> memref<1x200x128xi32, #tpu.memory_space<hbm>>
      %dma_wait3A_587 = tpu.memref_squeeze %dma_wait3A_586 : memref<1x200x128xi32, #tpu.memory_space<hbm>> -> memref<200x128xi32, #tpu.memory_space<hbm>>
      %dma_wait3A_588 = arith.constant 0 : i32
      %dma_wait3A_589 = arith.constant 0 : i32
      %dma_wait3A_590 = tpu.memref_slice %arg2[%add3A, %dma_wait3A_588, %dma_wait3A_589] : memref<32x200x128xi32, #tpu.memory_space<hbm>> -> memref<1x200x128xi32, #tpu.memory_space<hbm>>
      %dma_wait3A_591 = tpu.memref_squeeze %dma_wait3A_590 : memref<1x200x128xi32, #tpu.memory_space<hbm>> -> memref<200x128xi32, #tpu.memory_space<hbm>>
      tpu.wait_dma2 semaphore(%run_scoped3A : memref<!tpu.dma_semaphore, #tpu.memory_space<semaphore_mem>>) src(%dma_wait3A_591 : memref<200x128xi32, #tpu.memory_space<hbm>>) dst(%arg5 : memref<200x128xi32, #tpu.memory_space<vmem>>)
      tpu.yield
    }) : () -> ()
    %dma_start3A = arith.constant 0 : i32
    %dma_start3A_3 = arith.constant 0 : i32
    %dma_start3A_4 = arith.constant 0 : i32
    %dma_start3A_5 = arith.constant 0 : i32
    %dma_start3A_6 = tpu.memref_slice %arg6[%dma_start3A_3, %dma_start3A_4, %dma_start3A_5] : memref<5x128x128xf32, #tpu.memory_space<vmem>> -> memref<1x128x128xf32, #tpu.memory_space<vmem>>
    %dma_start3A_7 = tpu.memref_squeeze %dma_start3A_6 : memref<1x128x128xf32, #tpu.memory_space<vmem>> -> memref<128x128xf32, #tpu.memory_space<vmem>>
    %dma_start3A_8 = arith.constant 0 : i32
    %dma_start3A_9 = tpu.memref_slice %arg5[%dma_start3A, %dma_start3A_8] : memref<200x128xi32, #tpu.memory_space<vmem>> -> memref<1x128xi32, #tpu.memory_space<vmem>>
    %dma_start3A_10 = tpu.memref_squeeze %dma_start3A_9 : memref<1x128xi32, #tpu.memory_space<vmem>> -> memref<128xi32, #tpu.memory_space<vmem>>
    %dma_start3A_11 = arith.constant 0 : i32
    %dma_start3A_12 = arith.constant 0 : i32
    %dma_start3A_13 = tpu.memref_slice %arg3[%dma_start3A_11, %dma_start3A_12] : memref<100000x128xf32, #tpu.memory_space<hbm>> -> memref<100000x128xf32, #tpu.memory_space<hbm>>
    tpu.enqueue_indirect_dma source(%dma_start3A_13 : memref<100000x128xf32, #tpu.memory_space<hbm>>) target(%dma_start3A_7 : memref<128x128xf32, #tpu.memory_space<vmem>>) offsets(%dma_start3A_10 : memref<128xi32, #tpu.memory_space<vmem>>) semaphore(%arg7 : memref<!tpu.dma_semaphore, #tpu.memory_space<semaphore_mem>>)
    %dma_start3A_14 = arith.constant 1 : i32
    %dma_start3A_15 = arith.constant 1 : i32
    %dma_start3A_16 = arith.constant 0 : i32
    %dma_start3A_17 = arith.constant 0 : i32
    %dma_start3A_18 = tpu.memref_slice %arg6[%dma_start3A_15, %dma_start3A_16, %dma_start3A_17] : memref<5x128x128xf32, #tpu.memory_space<vmem>> -> memref<1x128x128xf32, #tpu.memory_space<vmem>>
    %dma_start3A_19 = tpu.memref_squeeze %dma_start3A_18 : memref<1x128x128xf32, #tpu.memory_space<vmem>> -> memref<128x128xf32, #tpu.memory_space<vmem>>
    %dma_start3A_20 = arith.constant 0 : i32
    %dma_start3A_21 = tpu.memref_slice %arg5[%dma_start3A_14, %dma_start3A_20] : memref<200x128xi32, #tpu.memory_space<vmem>> -> memref<1x128xi32, #tpu.memory_space<vmem>>
    %dma_start3A_22 = tpu.memref_squeeze %dma_start3A_21 : memref<1x128xi32, #tpu.memory_space<vmem>> -> memref<128xi32, #tpu.memory_space<vmem>>
    %dma_start3A_23 = arith.constant 0 : i32
    %dma_start3A_24 = arith.constant 0 : i32
    %dma_start3A_25 = tpu.memref_slice %arg3[%dma_start3A_23, %dma_start3A_24] : memref<100000x128xf32, #tpu.memory_space<hbm>> -> memref<100000x128xf32, #tpu.memory_space<hbm>>
    tpu.enqueue_indirect_dma source(%dma_start3A_25 : memref<100000x128xf32, #tpu.memory_space<hbm>>) target(%dma_start3A_19 : memref<128x128xf32, #tpu.memory_space<vmem>>) offsets(%dma_start3A_22 : memref<128xi32, #tpu.memory_space<vmem>>) semaphore(%arg8 : memref<!tpu.dma_semaphore, #tpu.memory_space<semaphore_mem>>)
    %dma_wait3A = arith.constant 0 : i32
    %dma_wait3A_26 = arith.constant 0 : i32
    %dma_wait3A_27 = arith.constant 0 : i32
    %dma_wait3A_28 = tpu.memref_slice %arg6[%dma_wait3A, %dma_wait3A_26, %dma_wait3A_27] : memref<5x128x128xf32, #tpu.memory_space<vmem>> -> memref<1x128x128xf32, #tpu.memory_space<vmem>>
    %dma_wait3A_29 = tpu.memref_squeeze %dma_wait3A_28 : memref<1x128x128xf32, #tpu.memory_space<vmem>> -> memref<128x128xf32, #tpu.memory_space<vmem>>
    %dma_wait3A_30 = arith.constant 0 : i32
    %dma_wait3A_31 = arith.constant 0 : i32
    %dma_wait3A_32 = tpu.memref_slice %arg3[%dma_wait3A_30, %dma_wait3A_31] : memref<100000x128xf32, #tpu.memory_space<hbm>> -> memref<128x128xf32, #tpu.memory_space<hbm>>
    %dma_wait3A_33 = arith.constant 0 : i32
    %dma_wait3A_34 = arith.constant 0 : i32
    %dma_wait3A_35 = tpu.memref_slice %arg6[%dma_wait3A, %dma_wait3A_33, %dma_wait3A_34] : memref<5x128x128xf32, #tpu.memory_space<vmem>> -> memref<1x128x128xf32, #tpu.memory_space<vmem>>
    %dma_wait3A_36 = tpu.memref_squeeze %dma_wait3A_35 : memref<1x128x128xf32, #tpu.memory_space<vmem>> -> memref<128x128xf32, #tpu.memory_space<vmem>>
    %dma_wait3A_37 = arith.constant 0 : i32
    %dma_wait3A_38 = arith.constant 0 : i32
    %dma_wait3A_39 = tpu.memref_slice %arg3[%dma_wait3A_37, %dma_wait3A_38] : memref<100000x128xf32, #tpu.memory_space<hbm>> -> memref<128x128xf32, #tpu.memory_space<hbm>>
    tpu.wait_dma2 semaphore(%arg7 : memref<!tpu.dma_semaphore, #tpu.memory_space<semaphore_mem>>) src(%dma_wait3A_39 : memref<128x128xf32, #tpu.memory_space<hbm>>) dst(%dma_wait3A_36 : memref<128x128xf32, #tpu.memory_space<vmem>>)
    %add3A_40 = arith.constant 0 : i32
    %add3A_41 = arith.addi %mul3A_2, %add3A_40 : i32
    %dma_start3A_42 = arith.constant 0 : i32
    %dma_start3A_43 = arith.constant 0 : i32
    %dma_start3A_44 = arith.constant 0 : i32
    %dma_start3A_45 = tpu.memref_slice %arg6[%dma_start3A_42, %dma_start3A_43, %dma_start3A_44] : memref<5x128x128xf32, #tpu.memory_space<vmem>> -> memref<1x128x128xf32, #tpu.memory_space<vmem>>
    %dma_start3A_46 = tpu.memref_squeeze %dma_start3A_45 : memref<1x128x128xf32, #tpu.memory_space<vmem>> -> memref<128x128xf32, #tpu.memory_space<vmem>>
    %dma_start3A_47 = arith.constant 0 : i32
    %dma_start3A_48 = tpu.memref_slice %arg4[%add3A_41, %dma_start3A_47] : memref<819200x128xf32, #tpu.memory_space<hbm>> -> memref<128x128xf32, #tpu.memory_space<hbm>>
    %dma_start3A_49 = arith.constant 0 : i32
    %dma_start3A_50 = tpu.memref_slice %arg4[%add3A_41, %dma_start3A_49] : memref<819200x128xf32, #tpu.memory_space<hbm>> -> memref<128x128xf32, #tpu.memory_space<hbm>>
    %dma_start3A_51 = arith.constant 0 : i32
    %dma_start3A_52 = arith.constant 0 : i32
    %dma_start3A_53 = tpu.memref_slice %arg6[%dma_start3A_42, %dma_start3A_51, %dma_start3A_52] : memref<5x128x128xf32, #tpu.memory_space<vmem>> -> memref<1x128x128xf32, #tpu.memory_space<vmem>>
    %dma_start3A_54 = tpu.memref_squeeze %dma_start3A_53 : memref<1x128x128xf32, #tpu.memory_space<vmem>> -> memref<128x128xf32, #tpu.memory_space<vmem>>
    tpu.enqueue_dma source(%dma_start3A_54 : memref<128x128xf32, #tpu.memory_space<vmem>>) target(%dma_start3A_50 : memref<128x128xf32, #tpu.memory_space<hbm>>) target_semaphore(%arg12 : memref<!tpu.dma_semaphore, #tpu.memory_space<semaphore_mem>>)
    %dma_start3A_55 = arith.constant 2 : i32
    %dma_start3A_56 = arith.constant 2 : i32
    %dma_start3A_57 = arith.constant 0 : i32
    %dma_start3A_58 = arith.constant 0 : i32
    %dma_start3A_59 = tpu.memref_slice %arg6[%dma_start3A_56, %dma_start3A_57, %dma_start3A_58] : memref<5x128x128xf32, #tpu.memory_space<vmem>> -> memref<1x128x128xf32, #tpu.memory_space<vmem>>
    %dma_start3A_60 = tpu.memref_squeeze %dma_start3A_59 : memref<1x128x128xf32, #tpu.memory_space<vmem>> -> memref<128x128xf32, #tpu.memory_space<vmem>>
    %dma_start3A_61 = arith.constant 0 : i32
    %dma_start3A_62 = tpu.memref_slice %arg5[%dma_start3A_55, %dma_start3A_61] : memref<200x128xi32, #tpu.memory_space<vmem>> -> memref<1x128xi32, #tpu.memory_space<vmem>>
    %dma_start3A_63 = tpu.memref_squeeze %dma_start3A_62 : memref<1x128xi32, #tpu.memory_space<vmem>> -> memref<128xi32, #tpu.memory_space<vmem>>
    %dma_start3A_64 = arith.constant 0 : i32
    %dma_start3A_65 = arith.constant 0 : i32
    %dma_start3A_66 = tpu.memref_slice %arg3[%dma_start3A_64, %dma_start3A_65] : memref<100000x128xf32, #tpu.memory_space<hbm>> -> memref<100000x128xf32, #tpu.memory_space<hbm>>
    tpu.enqueue_indirect_dma source(%dma_start3A_66 : memref<100000x128xf32, #tpu.memory_space<hbm>>) target(%dma_start3A_60 : memref<128x128xf32, #tpu.memory_space<vmem>>) offsets(%dma_start3A_63 : memref<128xi32, #tpu.memory_space<vmem>>) semaphore(%arg9 : memref<!tpu.dma_semaphore, #tpu.memory_space<semaphore_mem>>)
    %dma_wait3A_67 = arith.constant 1 : i32
    %dma_wait3A_68 = arith.constant 0 : i32
    %dma_wait3A_69 = arith.constant 0 : i32
    %dma_wait3A_70 = tpu.memref_slice %arg6[%dma_wait3A_67, %dma_wait3A_68, %dma_wait3A_69] : memref<5x128x128xf32, #tpu.memory_space<vmem>> -> memref<1x128x128xf32, #tpu.memory_space<vmem>>
    %dma_wait3A_71 = tpu.memref_squeeze %dma_wait3A_70 : memref<1x128x128xf32, #tpu.memory_space<vmem>> -> memref<128x128xf32, #tpu.memory_space<vmem>>
    %dma_wait3A_72 = arith.constant 0 : i32
    %dma_wait3A_73 = arith.constant 0 : i32
    %dma_wait3A_74 = tpu.memref_slice %arg3[%dma_wait3A_72, %dma_wait3A_73] : memref<100000x128xf32, #tpu.memory_space<hbm>> -> memref<128x128xf32, #tpu.memory_space<hbm>>
    %dma_wait3A_75 = arith.constant 0 : i32
    %dma_wait3A_76 = arith.constant 0 : i32
    %dma_wait3A_77 = tpu.memref_slice %arg6[%dma_wait3A_67, %dma_wait3A_75, %dma_wait3A_76] : memref<5x128x128xf32, #tpu.memory_space<vmem>> -> memref<1x128x128xf32, #tpu.memory_space<vmem>>
    %dma_wait3A_78 = tpu.memref_squeeze %dma_wait3A_77 : memref<1x128x128xf32, #tpu.memory_space<vmem>> -> memref<128x128xf32, #tpu.memory_space<vmem>>
    %dma_wait3A_79 = arith.constant 0 : i32
    %dma_wait3A_80 = arith.constant 0 : i32
    %dma_wait3A_81 = tpu.memref_slice %arg3[%dma_wait3A_79, %dma_wait3A_80] : memref<100000x128xf32, #tpu.memory_space<hbm>> -> memref<128x128xf32, #tpu.memory_space<hbm>>
    tpu.wait_dma2 semaphore(%arg8 : memref<!tpu.dma_semaphore, #tpu.memory_space<semaphore_mem>>) src(%dma_wait3A_81 : memref<128x128xf32, #tpu.memory_space<hbm>>) dst(%dma_wait3A_78 : memref<128x128xf32, #tpu.memory_space<vmem>>)
    %add3A_82 = arith.constant 128 : i32
    %add3A_83 = arith.addi %mul3A_2, %add3A_82 : i32
    %dma_start3A_84 = arith.constant 1 : i32
    %dma_start3A_85 = arith.constant 0 : i32
    %dma_start3A_86 = arith.constant 0 : i32
    %dma_start3A_87 = tpu.memref_slice %arg6[%dma_start3A_84, %dma_start3A_85, %dma_start3A_86] : memref<5x128x128xf32, #tpu.memory_space<vmem>> -> memref<1x128x128xf32, #tpu.memory_space<vmem>>
    %dma_start3A_88 = tpu.memref_squeeze %dma_start3A_87 : memref<1x128x128xf32, #tpu.memory_space<vmem>> -> memref<128x128xf32, #tpu.memory_space<vmem>>
    %dma_start3A_89 = arith.constant 0 : i32
    %dma_start3A_90 = tpu.memref_slice %arg4[%add3A_83, %dma_start3A_89] : memref<819200x128xf32, #tpu.memory_space<hbm>> -> memref<128x128xf32, #tpu.memory_space<hbm>>
    %dma_start3A_91 = arith.constant 0 : i32
    %dma_start3A_92 = tpu.memref_slice %arg4[%add3A_83, %dma_start3A_91] : memref<819200x128xf32, #tpu.memory_space<hbm>> -> memref<128x128xf32, #tpu.memory_space<hbm>>
    %dma_start3A_93 = arith.constant 0 : i32
    %dma_start3A_94 = arith.constant 0 : i32
    %dma_start3A_95 = tpu.memref_slice %arg6[%dma_start3A_84, %dma_start3A_93, %dma_start3A_94] : memref<5x128x128xf32, #tpu.memory_space<vmem>> -> memref<1x128x128xf32, #tpu.memory_space<vmem>>
    %dma_start3A_96 = tpu.memref_squeeze %dma_start3A_95 : memref<1x128x128xf32, #tpu.memory_space<vmem>> -> memref<128x128xf32, #tpu.memory_space<vmem>>
    tpu.enqueue_dma source(%dma_start3A_96 : memref<128x128xf32, #tpu.memory_space<vmem>>) target(%dma_start3A_92 : memref<128x128xf32, #tpu.memory_space<hbm>>) target_semaphore(%arg13 : memref<!tpu.dma_semaphore, #tpu.memory_space<semaphore_mem>>)
    %dma_start3A_97 = arith.constant 3 : i32
    %dma_start3A_98 = arith.constant 3 : i32
    %dma_start3A_99 = arith.constant 0 : i32
    %dma_start3A_100 = arith.constant 0 : i32
    %dma_start3A_101 = tpu.memref_slice %arg6[%dma_start3A_98, %dma_start3A_99, %dma_start3A_100] : memref<5x128x128xf32, #tpu.memory_space<vmem>> -> memref<1x128x128xf32, #tpu.memory_space<vmem>>
    %dma_start3A_102 = tpu.memref_squeeze %dma_start3A_101 : memref<1x128x128xf32, #tpu.memory_space<vmem>> -> memref<128x128xf32, #tpu.memory_space<vmem>>
    %dma_start3A_103 = arith.constant 0 : i32
    %dma_start3A_104 = tpu.memref_slice %arg5[%dma_start3A_97, %dma_start3A_103] : memref<200x128xi32, #tpu.memory_space<vmem>> -> memref<1x128xi32, #tpu.memory_space<vmem>>
    %dma_start3A_105 = tpu.memref_squeeze %dma_start3A_104 : memref<1x128xi32, #tpu.memory_space<vmem>> -> memref<128xi32, #tpu.memory_space<vmem>>
    %dma_start3A_106 = arith.constant 0 : i32
    %dma_start3A_107 = arith.constant 0 : i32
    %dma_start3A_108 = tpu.memref_slice %arg3[%dma_start3A_106, %dma_start3A_107] : memref<100000x128xf32, #tpu.memory_space<hbm>> -> memref<100000x128xf32, #tpu.memory_space<hbm>>
    tpu.enqueue_indirect_dma source(%dma_start3A_108 : memref<100000x128xf32, #tpu.memory_space<hbm>>) target(%dma_start3A_102 : memref<128x128xf32, #tpu.memory_space<vmem>>) offsets(%dma_start3A_105 : memref<128xi32, #tpu.memory_space<vmem>>) semaphore(%arg10 : memref<!tpu.dma_semaphore, #tpu.memory_space<semaphore_mem>>)
    %dma_wait3A_109 = arith.constant 2 : i32
    %dma_wait3A_110 = arith.constant 0 : i32
    %dma_wait3A_111 = arith.constant 0 : i32
    %dma_wait3A_112 = tpu.memref_slice %arg6[%dma_wait3A_109, %dma_wait3A_110, %dma_wait3A_111] : memref<5x128x128xf32, #tpu.memory_space<vmem>> -> memref<1x128x128xf32, #tpu.memory_space<vmem>>
    %dma_wait3A_113 = tpu.memref_squeeze %dma_wait3A_112 : memref<1x128x128xf32, #tpu.memory_space<vmem>> -> memref<128x128xf32, #tpu.memory_space<vmem>>
    %dma_wait3A_114 = arith.constant 0 : i32
    %dma_wait3A_115 = arith.constant 0 : i32
    %dma_wait3A_116 = tpu.memref_slice %arg3[%dma_wait3A_114, %dma_wait3A_115] : memref<100000x128xf32, #tpu.memory_space<hbm>> -> memref<128x128xf32, #tpu.memory_space<hbm>>
    %dma_wait3A_117 = arith.constant 0 : i32
    %dma_wait3A_118 = arith.constant 0 : i32
    %dma_wait3A_119 = tpu.memref_slice %arg6[%dma_wait3A_109, %dma_wait3A_117, %dma_wait3A_118] : memref<5x128x128xf32, #tpu.memory_space<vmem>> -> memref<1x128x128xf32, #tpu.memory_space<vmem>>
    %dma_wait3A_120 = tpu.memref_squeeze %dma_wait3A_119 : memref<1x128x128xf32, #tpu.memory_space<vmem>> -> memref<128x128xf32, #tpu.memory_space<vmem>>
    %dma_wait3A_121 = arith.constant 0 : i32
    %dma_wait3A_122 = arith.constant 0 : i32
    %dma_wait3A_123 = tpu.memref_slice %arg3[%dma_wait3A_121, %dma_wait3A_122] : memref<100000x128xf32, #tpu.memory_space<hbm>> -> memref<128x128xf32, #tpu.memory_space<hbm>>
    tpu.wait_dma2 semaphore(%arg9 : memref<!tpu.dma_semaphore, #tpu.memory_space<semaphore_mem>>) src(%dma_wait3A_123 : memref<128x128xf32, #tpu.memory_space<hbm>>) dst(%dma_wait3A_120 : memref<128x128xf32, #tpu.memory_space<vmem>>)
    %add3A_124 = arith.constant 256 : i32
    %add3A_125 = arith.addi %mul3A_2, %add3A_124 : i32
    %dma_start3A_126 = arith.constant 2 : i32
    %dma_start3A_127 = arith.constant 0 : i32
    %dma_start3A_128 = arith.constant 0 : i32
    %dma_start3A_129 = tpu.memref_slice %arg6[%dma_start3A_126, %dma_start3A_127, %dma_start3A_128] : memref<5x128x128xf32, #tpu.memory_space<vmem>> -> memref<1x128x128xf32, #tpu.memory_space<vmem>>
    %dma_start3A_130 = tpu.memref_squeeze %dma_start3A_129 : memref<1x128x128xf32, #tpu.memory_space<vmem>> -> memref<128x128xf32, #tpu.memory_space<vmem>>
    %dma_start3A_131 = arith.constant 0 : i32
    %dma_start3A_132 = tpu.memref_slice %arg4[%add3A_125, %dma_start3A_131] : memref<819200x128xf32, #tpu.memory_space<hbm>> -> memref<128x128xf32, #tpu.memory_space<hbm>>
    %dma_start3A_133 = arith.constant 0 : i32
    %dma_start3A_134 = tpu.memref_slice %arg4[%add3A_125, %dma_start3A_133] : memref<819200x128xf32, #tpu.memory_space<hbm>> -> memref<128x128xf32, #tpu.memory_space<hbm>>
    %dma_start3A_135 = arith.constant 0 : i32
    %dma_start3A_136 = arith.constant 0 : i32
    %dma_start3A_137 = tpu.memref_slice %arg6[%dma_start3A_126, %dma_start3A_135, %dma_start3A_136] : memref<5x128x128xf32, #tpu.memory_space<vmem>> -> memref<1x128x128xf32, #tpu.memory_space<vmem>>
    %dma_start3A_138 = tpu.memref_squeeze %dma_start3A_137 : memref<1x128x128xf32, #tpu.memory_space<vmem>> -> memref<128x128xf32, #tpu.memory_space<vmem>>
    tpu.enqueue_dma source(%dma_start3A_138 : memref<128x128xf32, #tpu.memory_space<vmem>>) target(%dma_start3A_134 : memref<128x128xf32, #tpu.memory_space<hbm>>) target_semaphore(%arg14 : memref<!tpu.dma_semaphore, #tpu.memory_space<semaphore_mem>>)
    %dma_start3A_139 = arith.constant 4 : i32
    %dma_start3A_140 = arith.constant 4 : i32
    %dma_start3A_141 = arith.constant 0 : i32
    %dma_start3A_142 = arith.constant 0 : i32
    %dma_start3A_143 = tpu.memref_slice %arg6[%dma_start3A_140, %dma_start3A_141, %dma_start3A_142] : memref<5x128x128xf32, #tpu.memory_space<vmem>> -> memref<1x128x128xf32, #tpu.memory_space<vmem>>
    %dma_start3A_144 = tpu.memref_squeeze %dma_start3A_143 : memref<1x128x128xf32, #tpu.memory_space<vmem>> -> memref<128x128xf32, #tpu.memory_space<vmem>>
    %dma_start3A_145 = arith.constant 0 : i32
    %dma_start3A_146 = tpu.memref_slice %arg5[%dma_start3A_139, %dma_start3A_145] : memref<200x128xi32, #tpu.memory_space<vmem>> -> memref<1x128xi32, #tpu.memory_space<vmem>>
    %dma_start3A_147 = tpu.memref_squeeze %dma_start3A_146 : memref<1x128xi32, #tpu.memory_space<vmem>> -> memref<128xi32, #tpu.memory_space<vmem>>
    %dma_start3A_148 = arith.constant 0 : i32
    %dma_start3A_149 = arith.constant 0 : i32
    %dma_start3A_150 = tpu.memref_slice %arg3[%dma_start3A_148, %dma_start3A_149] : memref<100000x128xf32, #tpu.memory_space<hbm>> -> memref<100000x128xf32, #tpu.memory_space<hbm>>
    tpu.enqueue_indirect_dma source(%dma_start3A_150 : memref<100000x128xf32, #tpu.memory_space<hbm>>) target(%dma_start3A_144 : memref<128x128xf32, #tpu.memory_space<vmem>>) offsets(%dma_start3A_147 : memref<128xi32, #tpu.memory_space<vmem>>) semaphore(%arg11 : memref<!tpu.dma_semaphore, #tpu.memory_space<semaphore_mem>>)
    %dma_wait3A_151 = arith.constant 3 : i32
    %dma_wait3A_152 = arith.constant 0 : i32
    %dma_wait3A_153 = arith.constant 0 : i32
    %dma_wait3A_154 = tpu.memref_slice %arg6[%dma_wait3A_151, %dma_wait3A_152, %dma_wait3A_153] : memref<5x128x128xf32, #tpu.memory_space<vmem>> -> memref<1x128x128xf32, #tpu.memory_space<vmem>>
    %dma_wait3A_155 = tpu.memref_squeeze %dma_wait3A_154 : memref<1x128x128xf32, #tpu.memory_space<vmem>> -> memref<128x128xf32, #tpu.memory_space<vmem>>
    %dma_wait3A_156 = arith.constant 0 : i32
    %dma_wait3A_157 = arith.constant 0 : i32
    %dma_wait3A_158 = tpu.memref_slice %arg3[%dma_wait3A_156, %dma_wait3A_157] : memref<100000x128xf32, #tpu.memory_space<hbm>> -> memref<128x128xf32, #tpu.memory_space<hbm>>
    %dma_wait3A_159 = arith.constant 0 : i32
    %dma_wait3A_160 = arith.constant 0 : i32
    %dma_wait3A_161 = tpu.memref_slice %arg6[%dma_wait3A_151, %dma_wait3A_159, %dma_wait3A_160] : memref<5x128x128xf32, #tpu.memory_space<vmem>> -> memref<1x128x128xf32, #tpu.memory_space<vmem>>
    %dma_wait3A_162 = tpu.memref_squeeze %dma_wait3A_161 : memref<1x128x128xf32, #tpu.memory_space<vmem>> -> memref<128x128xf32, #tpu.memory_space<vmem>>
    %dma_wait3A_163 = arith.constant 0 : i32
    %dma_wait3A_164 = arith.constant 0 : i32
    %dma_wait3A_165 = tpu.memref_slice %arg3[%dma_wait3A_163, %dma_wait3A_164] : memref<100000x128xf32, #tpu.memory_space<hbm>> -> memref<128x128xf32, #tpu.memory_space<hbm>>
    tpu.wait_dma2 semaphore(%arg10 : memref<!tpu.dma_semaphore, #tpu.memory_space<semaphore_mem>>) src(%dma_wait3A_165 : memref<128x128xf32, #tpu.memory_space<hbm>>) dst(%dma_wait3A_162 : memref<128x128xf32, #tpu.memory_space<vmem>>)
    %add3A_166 = arith.constant 384 : i32
    %add3A_167 = arith.addi %mul3A_2, %add3A_166 : i32
    %dma_start3A_168 = arith.constant 3 : i32
    %dma_start3A_169 = arith.constant 0 : i32
    %dma_start3A_170 = arith.constant 0 : i32
    %dma_start3A_171 = tpu.memref_slice %arg6[%dma_start3A_168, %dma_start3A_169, %dma_start3A_170] : memref<5x128x128xf32, #tpu.memory_space<vmem>> -> memref<1x128x128xf32, #tpu.memory_space<vmem>>
    %dma_start3A_172 = tpu.memref_squeeze %dma_start3A_171 : memref<1x128x128xf32, #tpu.memory_space<vmem>> -> memref<128x128xf32, #tpu.memory_space<vmem>>
    %dma_start3A_173 = arith.constant 0 : i32
    %dma_start3A_174 = tpu.memref_slice %arg4[%add3A_167, %dma_start3A_173] : memref<819200x128xf32, #tpu.memory_space<hbm>> -> memref<128x128xf32, #tpu.memory_space<hbm>>
    %dma_start3A_175 = arith.constant 0 : i32
    %dma_start3A_176 = tpu.memref_slice %arg4[%add3A_167, %dma_start3A_175] : memref<819200x128xf32, #tpu.memory_space<hbm>> -> memref<128x128xf32, #tpu.memory_space<hbm>>
    %dma_start3A_177 = arith.constant 0 : i32
    %dma_start3A_178 = arith.constant 0 : i32
    %dma_start3A_179 = tpu.memref_slice %arg6[%dma_start3A_168, %dma_start3A_177, %dma_start3A_178] : memref<5x128x128xf32, #tpu.memory_space<vmem>> -> memref<1x128x128xf32, #tpu.memory_space<vmem>>
    %dma_start3A_180 = tpu.memref_squeeze %dma_start3A_179 : memref<1x128x128xf32, #tpu.memory_space<vmem>> -> memref<128x128xf32, #tpu.memory_space<vmem>>
    tpu.enqueue_dma source(%dma_start3A_180 : memref<128x128xf32, #tpu.memory_space<vmem>>) target(%dma_start3A_176 : memref<128x128xf32, #tpu.memory_space<hbm>>) target_semaphore(%arg15 : memref<!tpu.dma_semaphore, #tpu.memory_space<semaphore_mem>>)
    %dma_wait3A_181 = arith.constant 0 : i32
    %dma_wait3A_182 = arith.constant 0 : i32
    %dma_wait3A_183 = arith.constant 0 : i32
    %dma_wait3A_184 = tpu.memref_slice %arg6[%dma_wait3A_181, %dma_wait3A_182, %dma_wait3A_183] : memref<5x128x128xf32, #tpu.memory_space<vmem>> -> memref<1x128x128xf32, #tpu.memory_space<vmem>>
    %dma_wait3A_185 = tpu.memref_squeeze %dma_wait3A_184 : memref<1x128x128xf32, #tpu.memory_space<vmem>> -> memref<128x128xf32, #tpu.memory_space<vmem>>
    %dma_wait3A_186 = arith.constant 0 : i32
    %dma_wait3A_187 = arith.constant 0 : i32
    %dma_wait3A_188 = tpu.memref_slice %arg4[%dma_wait3A_186, %dma_wait3A_187] : memref<819200x128xf32, #tpu.memory_space<hbm>> -> memref<128x128xf32, #tpu.memory_space<hbm>>
    %dma_wait3A_189 = arith.constant 0 : i32
    %dma_wait3A_190 = arith.constant 0 : i32
    %dma_wait3A_191 = tpu.memref_slice %arg4[%dma_wait3A_189, %dma_wait3A_190] : memref<819200x128xf32, #tpu.memory_space<hbm>> -> memref<128x128xf32, #tpu.memory_space<hbm>>
    %dma_wait3A_192 = arith.constant 0 : i32
    %dma_wait3A_193 = arith.constant 0 : i32
    %dma_wait3A_194 = tpu.memref_slice %arg6[%dma_wait3A_181, %dma_wait3A_192, %dma_wait3A_193] : memref<5x128x128xf32, #tpu.memory_space<vmem>> -> memref<1x128x128xf32, #tpu.memory_space<vmem>>
    %dma_wait3A_195 = tpu.memref_squeeze %dma_wait3A_194 : memref<1x128x128xf32, #tpu.memory_space<vmem>> -> memref<128x128xf32, #tpu.memory_space<vmem>>
    tpu.wait_dma2 semaphore(%arg12 : memref<!tpu.dma_semaphore, #tpu.memory_space<semaphore_mem>>) src(%dma_wait3A_195 : memref<128x128xf32, #tpu.memory_space<vmem>>) dst(%dma_wait3A_191 : memref<128x128xf32, #tpu.memory_space<hbm>>)
    %dma_start3A_196 = arith.constant 5 : i32
    %dma_start3A_197 = arith.constant 0 : i32
    %dma_start3A_198 = arith.constant 0 : i32
    %dma_start3A_199 = arith.constant 0 : i32
    %dma_start3A_200 = tpu.memref_slice %arg6[%dma_start3A_197, %dma_start3A_198, %dma_start3A_199] : memref<5x128x128xf32, #tpu.memory_space<vmem>> -> memref<1x128x128xf32, #tpu.memory_space<vmem>>
    %dma_start3A_201 = tpu.memref_squeeze %dma_start3A_200 : memref<1x128x128xf32, #tpu.memory_space<vmem>> -> memref<128x128xf32, #tpu.memory_space<vmem>>
    %dma_start3A_202 = arith.constant 0 : i32
    %dma_start3A_203 = tpu.memref_slice %arg5[%dma_start3A_196, %dma_start3A_202] : memref<200x128xi32, #tpu.memory_space<vmem>> -> memref<1x128xi32, #tpu.memory_space<vmem>>
    %dma_start3A_204 = tpu.memref_squeeze %dma_start3A_203 : memref<1x128xi32, #tpu.memory_space<vmem>> -> memref<128xi32, #tpu.memory_space<vmem>>
    %dma_start3A_205 = arith.constant 0 : i32
    %dma_start3A_206 = arith.constant 0 : i32
    %dma_start3A_207 = tpu.memref_slice %arg3[%dma_start3A_205, %dma_start3A_206] : memref<100000x128xf32, #tpu.memory_space<hbm>> -> memref<100000x128xf32, #tpu.memory_space<hbm>>
    tpu.enqueue_indirect_dma source(%dma_start3A_207 : memref<100000x128xf32, #tpu.memory_space<hbm>>) target(%dma_start3A_201 : memref<128x128xf32, #tpu.memory_space<vmem>>) offsets(%dma_start3A_204 : memref<128xi32, #tpu.memory_space<vmem>>) semaphore(%arg7 : memref<!tpu.dma_semaphore, #tpu.memory_space<semaphore_mem>>)
    %dma_wait3A_208 = arith.constant 4 : i32
    %dma_wait3A_209 = arith.constant 0 : i32
    %dma_wait3A_210 = arith.constant 0 : i32
    %dma_wait3A_211 = tpu.memref_slice %arg6[%dma_wait3A_208, %dma_wait3A_209, %dma_wait3A_210] : memref<5x128x128xf32, #tpu.memory_space<vmem>> -> memref<1x128x128xf32, #tpu.memory_space<vmem>>
    %dma_wait3A_212 = tpu.memref_squeeze %dma_wait3A_211 : memref<1x128x128xf32, #tpu.memory_space<vmem>> -> memref<128x128xf32, #tpu.memory_space<vmem>>
    %dma_wait3A_213 = arith.constant 0 : i32
    %dma_wait3A_214 = arith.constant 0 : i32
    %dma_wait3A_215 = tpu.memref_slice %arg3[%dma_wait3A_213, %dma_wait3A_214] : memref<100000x128xf32, #tpu.memory_space<hbm>> -> memref<128x128xf32, #tpu.memory_space<hbm>>
    %dma_wait3A_216 = arith.constant 0 : i32
    %dma_wait3A_217 = arith.constant 0 : i32
    %dma_wait3A_218 = tpu.memref_slice %arg6[%dma_wait3A_208, %dma_wait3A_216, %dma_wait3A_217] : memref<5x128x128xf32, #tpu.memory_space<vmem>> -> memref<1x128x128xf32, #tpu.memory_space<vmem>>
    %dma_wait3A_219 = tpu.memref_squeeze %dma_wait3A_218 : memref<1x128x128xf32, #tpu.memory_space<vmem>> -> memref<128x128xf32, #tpu.memory_space<vmem>>
    %dma_wait3A_220 = arith.constant 0 : i32
    %dma_wait3A_221 = arith.constant 0 : i32
    %dma_wait3A_222 = tpu.memref_slice %arg3[%dma_wait3A_220, %dma_wait3A_221] : memref<100000x128xf32, #tpu.memory_space<hbm>> -> memref<128x128xf32, #tpu.memory_space<hbm>>
    tpu.wait_dma2 semaphore(%arg11 : memref<!tpu.dma_semaphore, #tpu.memory_space<semaphore_mem>>) src(%dma_wait3A_222 : memref<128x128xf32, #tpu.memory_space<hbm>>) dst(%dma_wait3A_219 : memref<128x128xf32, #tpu.memory_space<vmem>>)
    %add3A_223 = arith.constant 512 : i32
    %add3A_224 = arith.addi %mul3A_2, %add3A_223 : i32
    %dma_start3A_225 = arith.constant 4 : i32
    %dma_start3A_226 = arith.constant 0 : i32
    %dma_start3A_227 = arith.constant 0 : i32
    %dma_start3A_228 = tpu.memref_slice %arg6[%dma_start3A_225, %dma_start3A_226, %dma_start3A_227] : memref<5x128x128xf32, #tpu.memory_space<vmem>> -> memref<1x128x128xf32, #tpu.memory_space<vmem>>
    %dma_start3A_229 = tpu.memref_squeeze %dma_start3A_228 : memref<1x128x128xf32, #tpu.memory_space<vmem>> -> memref<128x128xf32, #tpu.memory_space<vmem>>
    %dma_start3A_230 = arith.constant 0 : i32
    %dma_start3A_231 = tpu.memref_slice %arg4[%add3A_224, %dma_start3A_230] : memref<819200x128xf32, #tpu.memory_space<hbm>> -> memref<128x128xf32, #tpu.memory_space<hbm>>
    %dma_start3A_232 = arith.constant 0 : i32
    %dma_start3A_233 = tpu.memref_slice %arg4[%add3A_224, %dma_start3A_232] : memref<819200x128xf32, #tpu.memory_space<hbm>> -> memref<128x128xf32, #tpu.memory_space<hbm>>
    %dma_start3A_234 = arith.constant 0 : i32
    %dma_start3A_235 = arith.constant 0 : i32
    %dma_start3A_236 = tpu.memref_slice %arg6[%dma_start3A_225, %dma_start3A_234, %dma_start3A_235] : memref<5x128x128xf32, #tpu.memory_space<vmem>> -> memref<1x128x128xf32, #tpu.memory_space<vmem>>
    %dma_start3A_237 = tpu.memref_squeeze %dma_start3A_236 : memref<1x128x128xf32, #tpu.memory_space<vmem>> -> memref<128x128xf32, #tpu.memory_space<vmem>>
    tpu.enqueue_dma source(%dma_start3A_237 : memref<128x128xf32, #tpu.memory_space<vmem>>) target(%dma_start3A_233 : memref<128x128xf32, #tpu.memory_space<hbm>>) target_semaphore(%arg16 : memref<!tpu.dma_semaphore, #tpu.memory_space<semaphore_mem>>)
    %dma_wait3A_238 = arith.constant 1 : i32
    %dma_wait3A_239 = arith.constant 0 : i32
    %dma_wait3A_240 = arith.constant 0 : i32
    %dma_wait3A_241 = tpu.memref_slice %arg6[%dma_wait3A_238, %dma_wait3A_239, %dma_wait3A_240] : memref<5x128x128xf32, #tpu.memory_space<vmem>> -> memref<1x128x128xf32, #tpu.memory_space<vmem>>
    %dma_wait3A_242 = tpu.memref_squeeze %dma_wait3A_241 : memref<1x128x128xf32, #tpu.memory_space<vmem>> -> memref<128x128xf32, #tpu.memory_space<vmem>>
    %dma_wait3A_243 = arith.constant 0 : i32
    %dma_wait3A_244 = arith.constant 0 : i32
    %dma_wait3A_245 = tpu.memref_slice %arg4[%dma_wait3A_243, %dma_wait3A_244] : memref<819200x128xf32, #tpu.memory_space<hbm>> -> memref<128x128xf32, #tpu.memory_space<hbm>>
    %dma_wait3A_246 = arith.constant 0 : i32
    %dma_wait3A_247 = arith.constant 0 : i32
    %dma_wait3A_248 = tpu.memref_slice %arg4[%dma_wait3A_246, %dma_wait3A_247] : memref<819200x128xf32, #tpu.memory_space<hbm>> -> memref<128x128xf32, #tpu.memory_space<hbm>>
    %dma_wait3A_249 = arith.constant 0 : i32
    %dma_wait3A_250 = arith.constant 0 : i32
    %dma_wait3A_251 = tpu.memref_slice %arg6[%dma_wait3A_238, %dma_wait3A_249, %dma_wait3A_250] : memref<5x128x128xf32, #tpu.memory_space<vmem>> -> memref<1x128x128xf32, #tpu.memory_space<vmem>>
    %dma_wait3A_252 = tpu.memref_squeeze %dma_wait3A_251 : memref<1x128x128xf32, #tpu.memory_space<vmem>> -> memref<128x128xf32, #tpu.memory_space<vmem>>
    tpu.wait_dma2 semaphore(%arg13 : memref<!tpu.dma_semaphore, #tpu.memory_space<semaphore_mem>>) src(%dma_wait3A_252 : memref<128x128xf32, #tpu.memory_space<vmem>>) dst(%dma_wait3A_248 : memref<128x128xf32, #tpu.memory_space<hbm>>)
    %dma_start3A_253 = arith.constant 6 : i32
    %dma_start3A_254 = arith.constant 1 : i32
    %dma_start3A_255 = arith.constant 0 : i32
    %dma_start3A_256 = arith.constant 0 : i32
    %dma_start3A_257 = tpu.memref_slice %arg6[%dma_start3A_254, %dma_start3A_255, %dma_start3A_256] : memref<5x128x128xf32, #tpu.memory_space<vmem>> -> memref<1x128x128xf32, #tpu.memory_space<vmem>>
    %dma_start3A_258 = tpu.memref_squeeze %dma_start3A_257 : memref<1x128x128xf32, #tpu.memory_space<vmem>> -> memref<128x128xf32, #tpu.memory_space<vmem>>
    %dma_start3A_259 = arith.constant 0 : i32
    %dma_start3A_260 = tpu.memref_slice %arg5[%dma_start3A_253, %dma_start3A_259] : memref<200x128xi32, #tpu.memory_space<vmem>> -> memref<1x128xi32, #tpu.memory_space<vmem>>
    %dma_start3A_261 = tpu.memref_squeeze %dma_start3A_260 : memref<1x128xi32, #tpu.memory_space<vmem>> -> memref<128xi32, #tpu.memory_space<vmem>>
    %dma_start3A_262 = arith.constant 0 : i32
    %dma_start3A_263 = arith.constant 0 : i32
    %dma_start3A_264 = tpu.memref_slice %arg3[%dma_start3A_262, %dma_start3A_263] : memref<100000x128xf32, #tpu.memory_space<hbm>> -> memref<100000x128xf32, #tpu.memory_space<hbm>>
    tpu.enqueue_indirect_dma source(%dma_start3A_264 : memref<100000x128xf32, #tpu.memory_space<hbm>>) target(%dma_start3A_258 : memref<128x128xf32, #tpu.memory_space<vmem>>) offsets(%dma_start3A_261 : memref<128xi32, #tpu.memory_space<vmem>>) semaphore(%arg8 : memref<!tpu.dma_semaphore, #tpu.memory_space<semaphore_mem>>)
    %scan3A = arith.constant 0 : i32
    %scan3A_265 = arith.constant 1 : i32
    %scan3A_266 = arith.constant 38 : i32
    %scan3A_267 = arith.addi %scan3A_265, %scan3A_266 : i32
    %scan3A_268 = arith.constant 1 : i32
    scf.for %scan3A_576 = %scan3A_265 to %scan3A_267 step %scan3A_268  : i32 {
      %mul3A_577 = arith.constant 5 : i32
      %mul3A_578 = arith.muli %scan3A_576, %mul3A_577 : i32
      %dma_wait3A_579 = arith.constant 0 : i32
      %dma_wait3A_580 = arith.constant 0 : i32
      %dma_wait3A_581 = arith.constant 0 : i32
      %dma_wait3A_582 = tpu.memref_slice %arg6[%dma_wait3A_579, %dma_wait3A_580, %dma_wait3A_581] : memref<5x128x128xf32, #tpu.memory_space<vmem>> -> memref<1x128x128xf32, #tpu.memory_space<vmem>>
      %dma_wait3A_583 = tpu.memref_squeeze %dma_wait3A_582 : memref<1x128x128xf32, #tpu.memory_space<vmem>> -> memref<128x128xf32, #tpu.memory_space<vmem>>
      %dma_wait3A_584 = arith.constant 0 : i32
      %dma_wait3A_585 = arith.constant 0 : i32
      %dma_wait3A_586 = tpu.memref_slice %arg3[%dma_wait3A_584, %dma_wait3A_585] : memref<100000x128xf32, #tpu.memory_space<hbm>> -> memref<128x128xf32, #tpu.memory_space<hbm>>
      %dma_wait3A_587 = arith.constant 0 : i32
      %dma_wait3A_588 = arith.constant 0 : i32
      %dma_wait3A_589 = tpu.memref_slice %arg6[%dma_wait3A_579, %dma_wait3A_587, %dma_wait3A_588] : memref<5x128x128xf32, #tpu.memory_space<vmem>> -> memref<1x128x128xf32, #tpu.memory_space<vmem>>
      %dma_wait3A_590 = tpu.memref_squeeze %dma_wait3A_589 : memref<1x128x128xf32, #tpu.memory_space<vmem>> -> memref<128x128xf32, #tpu.memory_space<vmem>>
      %dma_wait3A_591 = arith.constant 0 : i32
      %dma_wait3A_592 = arith.constant 0 : i32
      %dma_wait3A_593 = tpu.memref_slice %arg3[%dma_wait3A_591, %dma_wait3A_592] : memref<100000x128xf32, #tpu.memory_space<hbm>> -> memref<128x128xf32, #tpu.memory_space<hbm>>
      tpu.wait_dma2 semaphore(%arg7 : memref<!tpu.dma_semaphore, #tpu.memory_space<semaphore_mem>>) src(%dma_wait3A_593 : memref<128x128xf32, #tpu.memory_space<hbm>>) dst(%dma_wait3A_590 : memref<128x128xf32, #tpu.memory_space<vmem>>)
      %add3A_594 = arith.constant 0 : i32
      %add3A_595 = arith.addi %mul3A_578, %add3A_594 : i32
      %mul3A_596 = arith.constant 128 : i32
      %mul3A_597 = arith.muli %add3A_595, %mul3A_596 : i32
      %add3A_598 = arith.addi %mul3A_2, %mul3A_597 : i32
      %dma_start3A_599 = arith.constant 0 : i32
      %dma_start3A_600 = arith.constant 0 : i32
      %dma_start3A_601 = arith.constant 0 : i32
      %dma_start3A_602 = tpu.memref_slice %arg6[%dma_start3A_599, %dma_start3A_600, %dma_start3A_601] : memref<5x128x128xf32, #tpu.memory_space<vmem>> -> memref<1x128x128xf32, #tpu.memory_space<vmem>>
      %dma_start3A_603 = tpu.memref_squeeze %dma_start3A_602 : memref<1x128x128xf32, #tpu.memory_space<vmem>> -> memref<128x128xf32, #tpu.memory_space<vmem>>
      %dma_start3A_604 = arith.constant 0 : i32
      %dma_start3A_605 = tpu.memref_slice %arg4[%add3A_598, %dma_start3A_604] : memref<819200x128xf32, #tpu.memory_space<hbm>> -> memref<128x128xf32, #tpu.memory_space<hbm>>
      %dma_start3A_606 = arith.constant 0 : i32
      %dma_start3A_607 = tpu.memref_slice %arg4[%add3A_598, %dma_start3A_606] : memref<819200x128xf32, #tpu.memory_space<hbm>> -> memref<128x128xf32, #tpu.memory_space<hbm>>
      %dma_start3A_608 = arith.constant 0 : i32
      %dma_start3A_609 = arith.constant 0 : i32
      %dma_start3A_610 = tpu.memref_slice %arg6[%dma_start3A_599, %dma_start3A_608, %dma_start3A_609] : memref<5x128x128xf32, #tpu.memory_space<vmem>> -> memref<1x128x128xf32, #tpu.memory_space<vmem>>
      %dma_start3A_611 = tpu.memref_squeeze %dma_start3A_610 : memref<1x128x128xf32, #tpu.memory_space<vmem>> -> memref<128x128xf32, #tpu.memory_space<vmem>>
      tpu.enqueue_dma source(%dma_start3A_611 : memref<128x128xf32, #tpu.memory_space<vmem>>) target(%dma_start3A_607 : memref<128x128xf32, #tpu.memory_space<hbm>>) target_semaphore(%arg12 : memref<!tpu.dma_semaphore, #tpu.memory_space<semaphore_mem>>)
      %dma_wait3A_612 = arith.constant 2 : i32
      %dma_wait3A_613 = arith.constant 0 : i32
      %dma_wait3A_614 = arith.constant 0 : i32
      %dma_wait3A_615 = tpu.memref_slice %arg6[%dma_wait3A_612, %dma_wait3A_613, %dma_wait3A_614] : memref<5x128x128xf32, #tpu.memory_space<vmem>> -> memref<1x128x128xf32, #tpu.memory_space<vmem>>
      %dma_wait3A_616 = tpu.memref_squeeze %dma_wait3A_615 : memref<1x128x128xf32, #tpu.memory_space<vmem>> -> memref<128x128xf32, #tpu.memory_space<vmem>>
      %dma_wait3A_617 = arith.constant 0 : i32
      %dma_wait3A_618 = arith.constant 0 : i32
      %dma_wait3A_619 = tpu.memref_slice %arg4[%dma_wait3A_617, %dma_wait3A_618] : memref<819200x128xf32, #tpu.memory_space<hbm>> -> memref<128x128xf32, #tpu.memory_space<hbm>>
      %dma_wait3A_620 = arith.constant 0 : i32
      %dma_wait3A_621 = arith.constant 0 : i32
      %dma_wait3A_622 = tpu.memref_slice %arg4[%dma_wait3A_620, %dma_wait3A_621] : memref<819200x128xf32, #tpu.memory_space<hbm>> -> memref<128x128xf32, #tpu.memory_space<hbm>>
      %dma_wait3A_623 = arith.constant 0 : i32
      %dma_wait3A_624 = arith.constant 0 : i32
      %dma_wait3A_625 = tpu.memref_slice %arg6[%dma_wait3A_612, %dma_wait3A_623, %dma_wait3A_624] : memref<5x128x128xf32, #tpu.memory_space<vmem>> -> memref<1x128x128xf32, #tpu.memory_space<vmem>>
      %dma_wait3A_626 = tpu.memref_squeeze %dma_wait3A_625 : memref<1x128x128xf32, #tpu.memory_space<vmem>> -> memref<128x128xf32, #tpu.memory_space<vmem>>
      tpu.wait_dma2 semaphore(%arg14 : memref<!tpu.dma_semaphore, #tpu.memory_space<semaphore_mem>>) src(%dma_wait3A_626 : memref<128x128xf32, #tpu.memory_space<vmem>>) dst(%dma_wait3A_622 : memref<128x128xf32, #tpu.memory_space<hbm>>)
      %add3A_627 = arith.constant 0 : i32
      %add3A_628 = arith.addi %mul3A_578, %add3A_627 : i32
      %add3A_629 = arith.constant 2 : i32
      %add3A_630 = arith.addi %add3A_628, %add3A_629 : i32
      %dma_start3A_631 = arith.constant 2 : i32
      %dma_start3A_632 = arith.constant 0 : i32
      %dma_start3A_633 = arith.constant 0 : i32
      %dma_start3A_634 = tpu.memref_slice %arg6[%dma_start3A_631, %dma_start3A_632, %dma_start3A_633] : memref<5x128x128xf32, #tpu.memory_space<vmem>> -> memref<1x128x128xf32, #tpu.memory_space<vmem>>
      %dma_start3A_635 = tpu.memref_squeeze %dma_start3A_634 : memref<1x128x128xf32, #tpu.memory_space<vmem>> -> memref<128x128xf32, #tpu.memory_space<vmem>>
      %dma_start3A_636 = arith.constant 0 : i32
      %dma_start3A_637 = tpu.memref_slice %arg5[%add3A_630, %dma_start3A_636] : memref<200x128xi32, #tpu.memory_space<vmem>> -> memref<1x128xi32, #tpu.memory_space<vmem>>
      %dma_start3A_638 = tpu.memref_squeeze %dma_start3A_637 : memref<1x128xi32, #tpu.memory_space<vmem>> -> memref<128xi32, #tpu.memory_space<vmem>>
      %dma_start3A_639 = arith.constant 0 : i32
      %dma_start3A_640 = arith.constant 0 : i32
      %dma_start3A_641 = tpu.memref_slice %arg3[%dma_start3A_639, %dma_start3A_640] : memref<100000x128xf32, #tpu.memory_space<hbm>> -> memref<100000x128xf32, #tpu.memory_space<hbm>>
      tpu.enqueue_indirect_dma source(%dma_start3A_641 : memref<100000x128xf32, #tpu.memory_space<hbm>>) target(%dma_start3A_635 : memref<128x128xf32, #tpu.memory_space<vmem>>) offsets(%dma_start3A_638 : memref<128xi32, #tpu.memory_space<vmem>>) semaphore(%arg9 : memref<!tpu.dma_semaphore, #tpu.memory_space<semaphore_mem>>)
      %dma_wait3A_642 = arith.constant 1 : i32
      %dma_wait3A_643 = arith.constant 0 : i32
      %dma_wait3A_644 = arith.constant 0 : i32
      %dma_wait3A_645 = tpu.memref_slice %arg6[%dma_wait3A_642, %dma_wait3A_643, %dma_wait3A_644] : memref<5x128x128xf32, #tpu.memory_space<vmem>> -> memref<1x128x128xf32, #tpu.memory_space<vmem>>
      %dma_wait3A_646 = tpu.memref_squeeze %dma_wait3A_645 : memref<1x128x128xf32, #tpu.memory_space<vmem>> -> memref<128x128xf32, #tpu.memory_space<vmem>>
      %dma_wait3A_647 = arith.constant 0 : i32
      %dma_wait3A_648 = arith.constant 0 : i32
      %dma_wait3A_649 = tpu.memref_slice %arg3[%dma_wait3A_647, %dma_wait3A_648] : memref<100000x128xf32, #tpu.memory_space<hbm>> -> memref<128x128xf32, #tpu.memory_space<hbm>>
      %dma_wait3A_650 = arith.constant 0 : i32
      %dma_wait3A_651 = arith.constant 0 : i32
      %dma_wait3A_652 = tpu.memref_slice %arg6[%dma_wait3A_642, %dma_wait3A_650, %dma_wait3A_651] : memref<5x128x128xf32, #tpu.memory_space<vmem>> -> memref<1x128x128xf32, #tpu.memory_space<vmem>>
      %dma_wait3A_653 = tpu.memref_squeeze %dma_wait3A_652 : memref<1x128x128xf32, #tpu.memory_space<vmem>> -> memref<128x128xf32, #tpu.memory_space<vmem>>
      %dma_wait3A_654 = arith.constant 0 : i32
      %dma_wait3A_655 = arith.constant 0 : i32
      %dma_wait3A_656 = tpu.memref_slice %arg3[%dma_wait3A_654, %dma_wait3A_655] : memref<100000x128xf32, #tpu.memory_space<hbm>> -> memref<128x128xf32, #tpu.memory_space<hbm>>
      tpu.wait_dma2 semaphore(%arg8 : memref<!tpu.dma_semaphore, #tpu.memory_space<semaphore_mem>>) src(%dma_wait3A_656 : memref<128x128xf32, #tpu.memory_space<hbm>>) dst(%dma_wait3A_653 : memref<128x128xf32, #tpu.memory_space<vmem>>)
      %add3A_657 = arith.constant 1 : i32
      %add3A_658 = arith.addi %mul3A_578, %add3A_657 : i32
      %mul3A_659 = arith.constant 128 : i32
      %mul3A_660 = arith.muli %add3A_658, %mul3A_659 : i32
      %add3A_661 = arith.addi %mul3A_2, %mul3A_660 : i32
      %dma_start3A_662 = arith.constant 1 : i32
      %dma_start3A_663 = arith.constant 0 : i32
      %dma_start3A_664 = arith.constant 0 : i32
      %dma_start3A_665 = tpu.memref_slice %arg6[%dma_start3A_662, %dma_start3A_663, %dma_start3A_664] : memref<5x128x128xf32, #tpu.memory_space<vmem>> -> memref<1x128x128xf32, #tpu.memory_space<vmem>>
      %dma_start3A_666 = tpu.memref_squeeze %dma_start3A_665 : memref<1x128x128xf32, #tpu.memory_space<vmem>> -> memref<128x128xf32, #tpu.memory_space<vmem>>
      %dma_start3A_667 = arith.constant 0 : i32
      %dma_start3A_668 = tpu.memref_slice %arg4[%add3A_661, %dma_start3A_667] : memref<819200x128xf32, #tpu.memory_space<hbm>> -> memref<128x128xf32, #tpu.memory_space<hbm>>
      %dma_start3A_669 = arith.constant 0 : i32
      %dma_start3A_670 = tpu.memref_slice %arg4[%add3A_661, %dma_start3A_669] : memref<819200x128xf32, #tpu.memory_space<hbm>> -> memref<128x128xf32, #tpu.memory_space<hbm>>
      %dma_start3A_671 = arith.constant 0 : i32
      %dma_start3A_672 = arith.constant 0 : i32
      %dma_start3A_673 = tpu.memref_slice %arg6[%dma_start3A_662, %dma_start3A_671, %dma_start3A_672] : memref<5x128x128xf32, #tpu.memory_space<vmem>> -> memref<1x128x128xf32, #tpu.memory_space<vmem>>
      %dma_start3A_674 = tpu.memref_squeeze %dma_start3A_673 : memref<1x128x128xf32, #tpu.memory_space<vmem>> -> memref<128x128xf32, #tpu.memory_space<vmem>>
      tpu.enqueue_dma source(%dma_start3A_674 : memref<128x128xf32, #tpu.memory_space<vmem>>) target(%dma_start3A_670 : memref<128x128xf32, #tpu.memory_space<hbm>>) target_semaphore(%arg13 : memref<!tpu.dma_semaphore, #tpu.memory_space<semaphore_mem>>)
      %dma_wait3A_675 = arith.constant 3 : i32
      %dma_wait3A_676 = arith.constant 0 : i32
      %dma_wait3A_677 = arith.constant 0 : i32
      %dma_wait3A_678 = tpu.memref_slice %arg6[%dma_wait3A_675, %dma_wait3A_676, %dma_wait3A_677] : memref<5x128x128xf32, #tpu.memory_space<vmem>> -> memref<1x128x128xf32, #tpu.memory_space<vmem>>
      %dma_wait3A_679 = tpu.memref_squeeze %dma_wait3A_678 : memref<1x128x128xf32, #tpu.memory_space<vmem>> -> memref<128x128xf32, #tpu.memory_space<vmem>>
      %dma_wait3A_680 = arith.constant 0 : i32
      %dma_wait3A_681 = arith.constant 0 : i32
      %dma_wait3A_682 = tpu.memref_slice %arg4[%dma_wait3A_680, %dma_wait3A_681] : memref<819200x128xf32, #tpu.memory_space<hbm>> -> memref<128x128xf32, #tpu.memory_space<hbm>>
      %dma_wait3A_683 = arith.constant 0 : i32
      %dma_wait3A_684 = arith.constant 0 : i32
      %dma_wait3A_685 = tpu.memref_slice %arg4[%dma_wait3A_683, %dma_wait3A_684] : memref<819200x128xf32, #tpu.memory_space<hbm>> -> memref<128x128xf32, #tpu.memory_space<hbm>>
      %dma_wait3A_686 = arith.constant 0 : i32
      %dma_wait3A_687 = arith.constant 0 : i32
      %dma_wait3A_688 = tpu.memref_slice %arg6[%dma_wait3A_675, %dma_wait3A_686, %dma_wait3A_687] : memref<5x128x128xf32, #tpu.memory_space<vmem>> -> memref<1x128x128xf32, #tpu.memory_space<vmem>>
      %dma_wait3A_689 = tpu.memref_squeeze %dma_wait3A_688 : memref<1x128x128xf32, #tpu.memory_space<vmem>> -> memref<128x128xf32, #tpu.memory_space<vmem>>
      tpu.wait_dma2 semaphore(%arg15 : memref<!tpu.dma_semaphore, #tpu.memory_space<semaphore_mem>>) src(%dma_wait3A_689 : memref<128x128xf32, #tpu.memory_space<vmem>>) dst(%dma_wait3A_685 : memref<128x128xf32, #tpu.memory_space<hbm>>)
      %add3A_690 = arith.constant 1 : i32
      %add3A_691 = arith.addi %mul3A_578, %add3A_690 : i32
      %add3A_692 = arith.constant 2 : i32
      %add3A_693 = arith.addi %add3A_691, %add3A_692 : i32
      %dma_start3A_694 = arith.constant 3 : i32
      %dma_start3A_695 = arith.constant 0 : i32
      %dma_start3A_696 = arith.constant 0 : i32
      %dma_start3A_697 = tpu.memref_slice %arg6[%dma_start3A_694, %dma_start3A_695, %dma_start3A_696] : memref<5x128x128xf32, #tpu.memory_space<vmem>> -> memref<1x128x128xf32, #tpu.memory_space<vmem>>
      %dma_start3A_698 = tpu.memref_squeeze %dma_start3A_697 : memref<1x128x128xf32, #tpu.memory_space<vmem>> -> memref<128x128xf32, #tpu.memory_space<vmem>>
      %dma_start3A_699 = arith.constant 0 : i32
      %dma_start3A_700 = tpu.memref_slice %arg5[%add3A_693, %dma_start3A_699] : memref<200x128xi32, #tpu.memory_space<vmem>> -> memref<1x128xi32, #tpu.memory_space<vmem>>
      %dma_start3A_701 = tpu.memref_squeeze %dma_start3A_700 : memref<1x128xi32, #tpu.memory_space<vmem>> -> memref<128xi32, #tpu.memory_space<vmem>>
      %dma_start3A_702 = arith.constant 0 : i32
      %dma_start3A_703 = arith.constant 0 : i32
      %dma_start3A_704 = tpu.memref_slice %arg3[%dma_start3A_702, %dma_start3A_703] : memref<100000x128xf32, #tpu.memory_space<hbm>> -> memref<100000x128xf32, #tpu.memory_space<hbm>>
      tpu.enqueue_indirect_dma source(%dma_start3A_704 : memref<100000x128xf32, #tpu.memory_space<hbm>>) target(%dma_start3A_698 : memref<128x128xf32, #tpu.memory_space<vmem>>) offsets(%dma_start3A_701 : memref<128xi32, #tpu.memory_space<vmem>>) semaphore(%arg10 : memref<!tpu.dma_semaphore, #tpu.memory_space<semaphore_mem>>)
      %dma_wait3A_705 = arith.constant 2 : i32
      %dma_wait3A_706 = arith.constant 0 : i32
      %dma_wait3A_707 = arith.constant 0 : i32
      %dma_wait3A_708 = tpu.memref_slice %arg6[%dma_wait3A_705, %dma_wait3A_706, %dma_wait3A_707] : memref<5x128x128xf32, #tpu.memory_space<vmem>> -> memref<1x128x128xf32, #tpu.memory_space<vmem>>
      %dma_wait3A_709 = tpu.memref_squeeze %dma_wait3A_708 : memref<1x128x128xf32, #tpu.memory_space<vmem>> -> memref<128x128xf32, #tpu.memory_space<vmem>>
      %dma_wait3A_710 = arith.constant 0 : i32
      %dma_wait3A_711 = arith.constant 0 : i32
      %dma_wait3A_712 = tpu.memref_slice %arg3[%dma_wait3A_710, %dma_wait3A_711] : memref<100000x128xf32, #tpu.memory_space<hbm>> -> memref<128x128xf32, #tpu.memory_space<hbm>>
      %dma_wait3A_713 = arith.constant 0 : i32
      %dma_wait3A_714 = arith.constant 0 : i32
      %dma_wait3A_715 = tpu.memref_slice %arg6[%dma_wait3A_705, %dma_wait3A_713, %dma_wait3A_714] : memref<5x128x128xf32, #tpu.memory_space<vmem>> -> memref<1x128x128xf32, #tpu.memory_space<vmem>>
      %dma_wait3A_716 = tpu.memref_squeeze %dma_wait3A_715 : memref<1x128x128xf32, #tpu.memory_space<vmem>> -> memref<128x128xf32, #tpu.memory_space<vmem>>
      %dma_wait3A_717 = arith.constant 0 : i32
      %dma_wait3A_718 = arith.constant 0 : i32
      %dma_wait3A_719 = tpu.memref_slice %arg3[%dma_wait3A_717, %dma_wait3A_718] : memref<100000x128xf32, #tpu.memory_space<hbm>> -> memref<128x128xf32, #tpu.memory_space<hbm>>
      tpu.wait_dma2 semaphore(%arg9 : memref<!tpu.dma_semaphore, #tpu.memory_space<semaphore_mem>>) src(%dma_wait3A_719 : memref<128x128xf32, #tpu.memory_space<hbm>>) dst(%dma_wait3A_716 : memref<128x128xf32, #tpu.memory_space<vmem>>)
      %add3A_720 = arith.constant 2 : i32
      %add3A_721 = arith.addi %mul3A_578, %add3A_720 : i32
      %mul3A_722 = arith.constant 128 : i32
      %mul3A_723 = arith.muli %add3A_721, %mul3A_722 : i32
      %add3A_724 = arith.addi %mul3A_2, %mul3A_723 : i32
      %dma_start3A_725 = arith.constant 2 : i32
      %dma_start3A_726 = arith.constant 0 : i32
      %dma_start3A_727 = arith.constant 0 : i32
      %dma_start3A_728 = tpu.memref_slice %arg6[%dma_start3A_725, %dma_start3A_726, %dma_start3A_727] : memref<5x128x128xf32, #tpu.memory_space<vmem>> -> memref<1x128x128xf32, #tpu.memory_space<vmem>>
      %dma_start3A_729 = tpu.memref_squeeze %dma_start3A_728 : memref<1x128x128xf32, #tpu.memory_space<vmem>> -> memref<128x128xf32, #tpu.memory_space<vmem>>
      %dma_start3A_730 = arith.constant 0 : i32
      %dma_start3A_731 = tpu.memref_slice %arg4[%add3A_724, %dma_start3A_730] : memref<819200x128xf32, #tpu.memory_space<hbm>> -> memref<128x128xf32, #tpu.memory_space<hbm>>
      %dma_start3A_732 = arith.constant 0 : i32
      %dma_start3A_733 = tpu.memref_slice %arg4[%add3A_724, %dma_start3A_732] : memref<819200x128xf32, #tpu.memory_space<hbm>> -> memref<128x128xf32, #tpu.memory_space<hbm>>
      %dma_start3A_734 = arith.constant 0 : i32
      %dma_start3A_735 = arith.constant 0 : i32
      %dma_start3A_736 = tpu.memref_slice %arg6[%dma_start3A_725, %dma_start3A_734, %dma_start3A_735] : memref<5x128x128xf32, #tpu.memory_space<vmem>> -> memref<1x128x128xf32, #tpu.memory_space<vmem>>
      %dma_start3A_737 = tpu.memref_squeeze %dma_start3A_736 : memref<1x128x128xf32, #tpu.memory_space<vmem>> -> memref<128x128xf32, #tpu.memory_space<vmem>>
      tpu.enqueue_dma source(%dma_start3A_737 : memref<128x128xf32, #tpu.memory_space<vmem>>) target(%dma_start3A_733 : memref<128x128xf32, #tpu.memory_space<hbm>>) target_semaphore(%arg14 : memref<!tpu.dma_semaphore, #tpu.memory_space<semaphore_mem>>)
      %dma_wait3A_738 = arith.constant 4 : i32
      %dma_wait3A_739 = arith.constant 0 : i32
      %dma_wait3A_740 = arith.constant 0 : i32
      %dma_wait3A_741 = tpu.memref_slice %arg6[%dma_wait3A_738, %dma_wait3A_739, %dma_wait3A_740] : memref<5x128x128xf32, #tpu.memory_space<vmem>> -> memref<1x128x128xf32, #tpu.memory_space<vmem>>
      %dma_wait3A_742 = tpu.memref_squeeze %dma_wait3A_741 : memref<1x128x128xf32, #tpu.memory_space<vmem>> -> memref<128x128xf32, #tpu.memory_space<vmem>>
      %dma_wait3A_743 = arith.constant 0 : i32
      %dma_wait3A_744 = arith.constant 0 : i32
      %dma_wait3A_745 = tpu.memref_slice %arg4[%dma_wait3A_743, %dma_wait3A_744] : memref<819200x128xf32, #tpu.memory_space<hbm>> -> memref<128x128xf32, #tpu.memory_space<hbm>>
      %dma_wait3A_746 = arith.constant 0 : i32
      %dma_wait3A_747 = arith.constant 0 : i32
      %dma_wait3A_748 = tpu.memref_slice %arg4[%dma_wait3A_746, %dma_wait3A_747] : memref<819200x128xf32, #tpu.memory_space<hbm>> -> memref<128x128xf32, #tpu.memory_space<hbm>>
      %dma_wait3A_749 = arith.constant 0 : i32
      %dma_wait3A_750 = arith.constant 0 : i32
      %dma_wait3A_751 = tpu.memref_slice %arg6[%dma_wait3A_738, %dma_wait3A_749, %dma_wait3A_750] : memref<5x128x128xf32, #tpu.memory_space<vmem>> -> memref<1x128x128xf32, #tpu.memory_space<vmem>>
      %dma_wait3A_752 = tpu.memref_squeeze %dma_wait3A_751 : memref<1x128x128xf32, #tpu.memory_space<vmem>> -> memref<128x128xf32, #tpu.memory_space<vmem>>
      tpu.wait_dma2 semaphore(%arg16 : memref<!tpu.dma_semaphore, #tpu.memory_space<semaphore_mem>>) src(%dma_wait3A_752 : memref<128x128xf32, #tpu.memory_space<vmem>>) dst(%dma_wait3A_748 : memref<128x128xf32, #tpu.memory_space<hbm>>)
      %add3A_753 = arith.constant 2 : i32
      %add3A_754 = arith.addi %mul3A_578, %add3A_753 : i32
      %add3A_755 = arith.constant 2 : i32
      %add3A_756 = arith.addi %add3A_754, %add3A_755 : i32
      %dma_start3A_757 = arith.constant 4 : i32
      %dma_start3A_758 = arith.constant 0 : i32
      %dma_start3A_759 = arith.constant 0 : i32
      %dma_start3A_760 = tpu.memref_slice %arg6[%dma_start3A_757, %dma_start3A_758, %dma_start3A_759] : memref<5x128x128xf32, #tpu.memory_space<vmem>> -> memref<1x128x128xf32, #tpu.memory_space<vmem>>
      %dma_start3A_761 = tpu.memref_squeeze %dma_start3A_760 : memref<1x128x128xf32, #tpu.memory_space<vmem>> -> memref<128x128xf32, #tpu.memory_space<vmem>>
      %dma_start3A_762 = arith.constant 0 : i32
      %dma_start3A_763 = tpu.memref_slice %arg5[%add3A_756, %dma_start3A_762] : memref<200x128xi32, #tpu.memory_space<vmem>> -> memref<1x128xi32, #tpu.memory_space<vmem>>
      %dma_start3A_764 = tpu.memref_squeeze %dma_start3A_763 : memref<1x128xi32, #tpu.memory_space<vmem>> -> memref<128xi32, #tpu.memory_space<vmem>>
      %dma_start3A_765 = arith.constant 0 : i32
      %dma_start3A_766 = arith.constant 0 : i32
      %dma_start3A_767 = tpu.memref_slice %arg3[%dma_start3A_765, %dma_start3A_766] : memref<100000x128xf32, #tpu.memory_space<hbm>> -> memref<100000x128xf32, #tpu.memory_space<hbm>>
      tpu.enqueue_indirect_dma source(%dma_start3A_767 : memref<100000x128xf32, #tpu.memory_space<hbm>>) target(%dma_start3A_761 : memref<128x128xf32, #tpu.memory_space<vmem>>) offsets(%dma_start3A_764 : memref<128xi32, #tpu.memory_space<vmem>>) semaphore(%arg11 : memref<!tpu.dma_semaphore, #tpu.memory_space<semaphore_mem>>)
      %dma_wait3A_768 = arith.constant 3 : i32
      %dma_wait3A_769 = arith.constant 0 : i32
      %dma_wait3A_770 = arith.constant 0 : i32
      %dma_wait3A_771 = tpu.memref_slice %arg6[%dma_wait3A_768, %dma_wait3A_769, %dma_wait3A_770] : memref<5x128x128xf32, #tpu.memory_space<vmem>> -> memref<1x128x128xf32, #tpu.memory_space<vmem>>
      %dma_wait3A_772 = tpu.memref_squeeze %dma_wait3A_771 : memref<1x128x128xf32, #tpu.memory_space<vmem>> -> memref<128x128xf32, #tpu.memory_space<vmem>>
      %dma_wait3A_773 = arith.constant 0 : i32
      %dma_wait3A_774 = arith.constant 0 : i32
      %dma_wait3A_775 = tpu.memref_slice %arg3[%dma_wait3A_773, %dma_wait3A_774] : memref<100000x128xf32, #tpu.memory_space<hbm>> -> memref<128x128xf32, #tpu.memory_space<hbm>>
      %dma_wait3A_776 = arith.constant 0 : i32
      %dma_wait3A_777 = arith.constant 0 : i32
      %dma_wait3A_778 = tpu.memref_slice %arg6[%dma_wait3A_768, %dma_wait3A_776, %dma_wait3A_777] : memref<5x128x128xf32, #tpu.memory_space<vmem>> -> memref<1x128x128xf32, #tpu.memory_space<vmem>>
      %dma_wait3A_779 = tpu.memref_squeeze %dma_wait3A_778 : memref<1x128x128xf32, #tpu.memory_space<vmem>> -> memref<128x128xf32, #tpu.memory_space<vmem>>
      %dma_wait3A_780 = arith.constant 0 : i32
      %dma_wait3A_781 = arith.constant 0 : i32
      %dma_wait3A_782 = tpu.memref_slice %arg3[%dma_wait3A_780, %dma_wait3A_781] : memref<100000x128xf32, #tpu.memory_space<hbm>> -> memref<128x128xf32, #tpu.memory_space<hbm>>
      tpu.wait_dma2 semaphore(%arg10 : memref<!tpu.dma_semaphore, #tpu.memory_space<semaphore_mem>>) src(%dma_wait3A_782 : memref<128x128xf32, #tpu.memory_space<hbm>>) dst(%dma_wait3A_779 : memref<128x128xf32, #tpu.memory_space<vmem>>)
      %add3A_783 = arith.constant 3 : i32
      %add3A_784 = arith.addi %mul3A_578, %add3A_783 : i32
      %mul3A_785 = arith.constant 128 : i32
      %mul3A_786 = arith.muli %add3A_784, %mul3A_785 : i32
      %add3A_787 = arith.addi %mul3A_2, %mul3A_786 : i32
      %dma_start3A_788 = arith.constant 3 : i32
      %dma_start3A_789 = arith.constant 0 : i32
      %dma_start3A_790 = arith.constant 0 : i32
      %dma_start3A_791 = tpu.memref_slice %arg6[%dma_start3A_788, %dma_start3A_789, %dma_start3A_790] : memref<5x128x128xf32, #tpu.memory_space<vmem>> -> memref<1x128x128xf32, #tpu.memory_space<vmem>>
      %dma_start3A_792 = tpu.memref_squeeze %dma_start3A_791 : memref<1x128x128xf32, #tpu.memory_space<vmem>> -> memref<128x128xf32, #tpu.memory_space<vmem>>
      %dma_start3A_793 = arith.constant 0 : i32
      %dma_start3A_794 = tpu.memref_slice %arg4[%add3A_787, %dma_start3A_793] : memref<819200x128xf32, #tpu.memory_space<hbm>> -> memref<128x128xf32, #tpu.memory_space<hbm>>
      %dma_start3A_795 = arith.constant 0 : i32
      %dma_start3A_796 = tpu.memref_slice %arg4[%add3A_787, %dma_start3A_795] : memref<819200x128xf32, #tpu.memory_space<hbm>> -> memref<128x128xf32, #tpu.memory_space<hbm>>
      %dma_start3A_797 = arith.constant 0 : i32
      %dma_start3A_798 = arith.constant 0 : i32
      %dma_start3A_799 = tpu.memref_slice %arg6[%dma_start3A_788, %dma_start3A_797, %dma_start3A_798] : memref<5x128x128xf32, #tpu.memory_space<vmem>> -> memref<1x128x128xf32, #tpu.memory_space<vmem>>
      %dma_start3A_800 = tpu.memref_squeeze %dma_start3A_799 : memref<1x128x128xf32, #tpu.memory_space<vmem>> -> memref<128x128xf32, #tpu.memory_space<vmem>>
      tpu.enqueue_dma source(%dma_start3A_800 : memref<128x128xf32, #tpu.memory_space<vmem>>) target(%dma_start3A_796 : memref<128x128xf32, #tpu.memory_space<hbm>>) target_semaphore(%arg15 : memref<!tpu.dma_semaphore, #tpu.memory_space<semaphore_mem>>)
      %dma_wait3A_801 = arith.constant 0 : i32
      %dma_wait3A_802 = arith.constant 0 : i32
      %dma_wait3A_803 = arith.constant 0 : i32
      %dma_wait3A_804 = tpu.memref_slice %arg6[%dma_wait3A_801, %dma_wait3A_802, %dma_wait3A_803] : memref<5x128x128xf32, #tpu.memory_space<vmem>> -> memref<1x128x128xf32, #tpu.memory_space<vmem>>
      %dma_wait3A_805 = tpu.memref_squeeze %dma_wait3A_804 : memref<1x128x128xf32, #tpu.memory_space<vmem>> -> memref<128x128xf32, #tpu.memory_space<vmem>>
      %dma_wait3A_806 = arith.constant 0 : i32
      %dma_wait3A_807 = arith.constant 0 : i32
      %dma_wait3A_808 = tpu.memref_slice %arg4[%dma_wait3A_806, %dma_wait3A_807] : memref<819200x128xf32, #tpu.memory_space<hbm>> -> memref<128x128xf32, #tpu.memory_space<hbm>>
      %dma_wait3A_809 = arith.constant 0 : i32
      %dma_wait3A_810 = arith.constant 0 : i32
      %dma_wait3A_811 = tpu.memref_slice %arg4[%dma_wait3A_809, %dma_wait3A_810] : memref<819200x128xf32, #tpu.memory_space<hbm>> -> memref<128x128xf32, #tpu.memory_space<hbm>>
      %dma_wait3A_812 = arith.constant 0 : i32
      %dma_wait3A_813 = arith.constant 0 : i32
      %dma_wait3A_814 = tpu.memref_slice %arg6[%dma_wait3A_801, %dma_wait3A_812, %dma_wait3A_813] : memref<5x128x128xf32, #tpu.memory_space<vmem>> -> memref<1x128x128xf32, #tpu.memory_space<vmem>>
      %dma_wait3A_815 = tpu.memref_squeeze %dma_wait3A_814 : memref<1x128x128xf32, #tpu.memory_space<vmem>> -> memref<128x128xf32, #tpu.memory_space<vmem>>
      tpu.wait_dma2 semaphore(%arg12 : memref<!tpu.dma_semaphore, #tpu.memory_space<semaphore_mem>>) src(%dma_wait3A_815 : memref<128x128xf32, #tpu.memory_space<vmem>>) dst(%dma_wait3A_811 : memref<128x128xf32, #tpu.memory_space<hbm>>)
      %add3A_816 = arith.constant 3 : i32
      %add3A_817 = arith.addi %mul3A_578, %add3A_816 : i32
      %add3A_818 = arith.constant 2 : i32
      %add3A_819 = arith.addi %add3A_817, %add3A_818 : i32
      %dma_start3A_820 = arith.constant 0 : i32
      %dma_start3A_821 = arith.constant 0 : i32
      %dma_start3A_822 = arith.constant 0 : i32
      %dma_start3A_823 = tpu.memref_slice %arg6[%dma_start3A_820, %dma_start3A_821, %dma_start3A_822] : memref<5x128x128xf32, #tpu.memory_space<vmem>> -> memref<1x128x128xf32, #tpu.memory_space<vmem>>
      %dma_start3A_824 = tpu.memref_squeeze %dma_start3A_823 : memref<1x128x128xf32, #tpu.memory_space<vmem>> -> memref<128x128xf32, #tpu.memory_space<vmem>>
      %dma_start3A_825 = arith.constant 0 : i32
      %dma_start3A_826 = tpu.memref_slice %arg5[%add3A_819, %dma_start3A_825] : memref<200x128xi32, #tpu.memory_space<vmem>> -> memref<1x128xi32, #tpu.memory_space<vmem>>
      %dma_start3A_827 = tpu.memref_squeeze %dma_start3A_826 : memref<1x128xi32, #tpu.memory_space<vmem>> -> memref<128xi32, #tpu.memory_space<vmem>>
      %dma_start3A_828 = arith.constant 0 : i32
      %dma_start3A_829 = arith.constant 0 : i32
      %dma_start3A_830 = tpu.memref_slice %arg3[%dma_start3A_828, %dma_start3A_829] : memref<100000x128xf32, #tpu.memory_space<hbm>> -> memref<100000x128xf32, #tpu.memory_space<hbm>>
      tpu.enqueue_indirect_dma source(%dma_start3A_830 : memref<100000x128xf32, #tpu.memory_space<hbm>>) target(%dma_start3A_824 : memref<128x128xf32, #tpu.memory_space<vmem>>) offsets(%dma_start3A_827 : memref<128xi32, #tpu.memory_space<vmem>>) semaphore(%arg7 : memref<!tpu.dma_semaphore, #tpu.memory_space<semaphore_mem>>)
      %dma_wait3A_831 = arith.constant 4 : i32
      %dma_wait3A_832 = arith.constant 0 : i32
      %dma_wait3A_833 = arith.constant 0 : i32
      %dma_wait3A_834 = tpu.memref_slice %arg6[%dma_wait3A_831, %dma_wait3A_832, %dma_wait3A_833] : memref<5x128x128xf32, #tpu.memory_space<vmem>> -> memref<1x128x128xf32, #tpu.memory_space<vmem>>
      %dma_wait3A_835 = tpu.memref_squeeze %dma_wait3A_834 : memref<1x128x128xf32, #tpu.memory_space<vmem>> -> memref<128x128xf32, #tpu.memory_space<vmem>>
      %dma_wait3A_836 = arith.constant 0 : i32
      %dma_wait3A_837 = arith.constant 0 : i32
      %dma_wait3A_838 = tpu.memref_slice %arg3[%dma_wait3A_836, %dma_wait3A_837] : memref<100000x128xf32, #tpu.memory_space<hbm>> -> memref<128x128xf32, #tpu.memory_space<hbm>>
      %dma_wait3A_839 = arith.constant 0 : i32
      %dma_wait3A_840 = arith.constant 0 : i32
      %dma_wait3A_841 = tpu.memref_slice %arg6[%dma_wait3A_831, %dma_wait3A_839, %dma_wait3A_840] : memref<5x128x128xf32, #tpu.memory_space<vmem>> -> memref<1x128x128xf32, #tpu.memory_space<vmem>>
      %dma_wait3A_842 = tpu.memref_squeeze %dma_wait3A_841 : memref<1x128x128xf32, #tpu.memory_space<vmem>> -> memref<128x128xf32, #tpu.memory_space<vmem>>
      %dma_wait3A_843 = arith.constant 0 : i32
      %dma_wait3A_844 = arith.constant 0 : i32
      %dma_wait3A_845 = tpu.memref_slice %arg3[%dma_wait3A_843, %dma_wait3A_844] : memref<100000x128xf32, #tpu.memory_space<hbm>> -> memref<128x128xf32, #tpu.memory_space<hbm>>
      tpu.wait_dma2 semaphore(%arg11 : memref<!tpu.dma_semaphore, #tpu.memory_space<semaphore_mem>>) src(%dma_wait3A_845 : memref<128x128xf32, #tpu.memory_space<hbm>>) dst(%dma_wait3A_842 : memref<128x128xf32, #tpu.memory_space<vmem>>)
      %add3A_846 = arith.constant 4 : i32
      %add3A_847 = arith.addi %mul3A_578, %add3A_846 : i32
      %mul3A_848 = arith.constant 128 : i32
      %mul3A_849 = arith.muli %add3A_847, %mul3A_848 : i32
      %add3A_850 = arith.addi %mul3A_2, %mul3A_849 : i32
      %dma_start3A_851 = arith.constant 4 : i32
      %dma_start3A_852 = arith.constant 0 : i32
      %dma_start3A_853 = arith.constant 0 : i32
      %dma_start3A_854 = tpu.memref_slice %arg6[%dma_start3A_851, %dma_start3A_852, %dma_start3A_853] : memref<5x128x128xf32, #tpu.memory_space<vmem>> -> memref<1x128x128xf32, #tpu.memory_space<vmem>>
      %dma_start3A_855 = tpu.memref_squeeze %dma_start3A_854 : memref<1x128x128xf32, #tpu.memory_space<vmem>> -> memref<128x128xf32, #tpu.memory_space<vmem>>
      %dma_start3A_856 = arith.constant 0 : i32
      %dma_start3A_857 = tpu.memref_slice %arg4[%add3A_850, %dma_start3A_856] : memref<819200x128xf32, #tpu.memory_space<hbm>> -> memref<128x128xf32, #tpu.memory_space<hbm>>
      %dma_start3A_858 = arith.constant 0 : i32
      %dma_start3A_859 = tpu.memref_slice %arg4[%add3A_850, %dma_start3A_858] : memref<819200x128xf32, #tpu.memory_space<hbm>> -> memref<128x128xf32, #tpu.memory_space<hbm>>
      %dma_start3A_860 = arith.constant 0 : i32
      %dma_start3A_861 = arith.constant 0 : i32
      %dma_start3A_862 = tpu.memref_slice %arg6[%dma_start3A_851, %dma_start3A_860, %dma_start3A_861] : memref<5x128x128xf32, #tpu.memory_space<vmem>> -> memref<1x128x128xf32, #tpu.memory_space<vmem>>
      %dma_start3A_863 = tpu.memref_squeeze %dma_start3A_862 : memref<1x128x128xf32, #tpu.memory_space<vmem>> -> memref<128x128xf32, #tpu.memory_space<vmem>>
      tpu.enqueue_dma source(%dma_start3A_863 : memref<128x128xf32, #tpu.memory_space<vmem>>) target(%dma_start3A_859 : memref<128x128xf32, #tpu.memory_space<hbm>>) target_semaphore(%arg16 : memref<!tpu.dma_semaphore, #tpu.memory_space<semaphore_mem>>)
      %dma_wait3A_864 = arith.constant 1 : i32
      %dma_wait3A_865 = arith.constant 0 : i32
      %dma_wait3A_866 = arith.constant 0 : i32
      %dma_wait3A_867 = tpu.memref_slice %arg6[%dma_wait3A_864, %dma_wait3A_865, %dma_wait3A_866] : memref<5x128x128xf32, #tpu.memory_space<vmem>> -> memref<1x128x128xf32, #tpu.memory_space<vmem>>
      %dma_wait3A_868 = tpu.memref_squeeze %dma_wait3A_867 : memref<1x128x128xf32, #tpu.memory_space<vmem>> -> memref<128x128xf32, #tpu.memory_space<vmem>>
      %dma_wait3A_869 = arith.constant 0 : i32
      %dma_wait3A_870 = arith.constant 0 : i32
      %dma_wait3A_871 = tpu.memref_slice %arg4[%dma_wait3A_869, %dma_wait3A_870] : memref<819200x128xf32, #tpu.memory_space<hbm>> -> memref<128x128xf32, #tpu.memory_space<hbm>>
      %dma_wait3A_872 = arith.constant 0 : i32
      %dma_wait3A_873 = arith.constant 0 : i32
      %dma_wait3A_874 = tpu.memref_slice %arg4[%dma_wait3A_872, %dma_wait3A_873] : memref<819200x128xf32, #tpu.memory_space<hbm>> -> memref<128x128xf32, #tpu.memory_space<hbm>>
      %dma_wait3A_875 = arith.constant 0 : i32
      %dma_wait3A_876 = arith.constant 0 : i32
      %dma_wait3A_877 = tpu.memref_slice %arg6[%dma_wait3A_864, %dma_wait3A_875, %dma_wait3A_876] : memref<5x128x128xf32, #tpu.memory_space<vmem>> -> memref<1x128x128xf32, #tpu.memory_space<vmem>>
      %dma_wait3A_878 = tpu.memref_squeeze %dma_wait3A_877 : memref<1x128x128xf32, #tpu.memory_space<vmem>> -> memref<128x128xf32, #tpu.memory_space<vmem>>
      tpu.wait_dma2 semaphore(%arg13 : memref<!tpu.dma_semaphore, #tpu.memory_space<semaphore_mem>>) src(%dma_wait3A_878 : memref<128x128xf32, #tpu.memory_space<vmem>>) dst(%dma_wait3A_874 : memref<128x128xf32, #tpu.memory_space<hbm>>)
      %add3A_879 = arith.constant 4 : i32
      %add3A_880 = arith.addi %mul3A_578, %add3A_879 : i32
      %add3A_881 = arith.constant 2 : i32
      %add3A_882 = arith.addi %add3A_880, %add3A_881 : i32
      %dma_start3A_883 = arith.constant 1 : i32
      %dma_start3A_884 = arith.constant 0 : i32
      %dma_start3A_885 = arith.constant 0 : i32
      %dma_start3A_886 = tpu.memref_slice %arg6[%dma_start3A_883, %dma_start3A_884, %dma_start3A_885] : memref<5x128x128xf32, #tpu.memory_space<vmem>> -> memref<1x128x128xf32, #tpu.memory_space<vmem>>
      %dma_start3A_887 = tpu.memref_squeeze %dma_start3A_886 : memref<1x128x128xf32, #tpu.memory_space<vmem>> -> memref<128x128xf32, #tpu.memory_space<vmem>>
      %dma_start3A_888 = arith.constant 0 : i32
      %dma_start3A_889 = tpu.memref_slice %arg5[%add3A_882, %dma_start3A_888] : memref<200x128xi32, #tpu.memory_space<vmem>> -> memref<1x128xi32, #tpu.memory_space<vmem>>
      %dma_start3A_890 = tpu.memref_squeeze %dma_start3A_889 : memref<1x128xi32, #tpu.memory_space<vmem>> -> memref<128xi32, #tpu.memory_space<vmem>>
      %dma_start3A_891 = arith.constant 0 : i32
      %dma_start3A_892 = arith.constant 0 : i32
      %dma_start3A_893 = tpu.memref_slice %arg3[%dma_start3A_891, %dma_start3A_892] : memref<100000x128xf32, #tpu.memory_space<hbm>> -> memref<100000x128xf32, #tpu.memory_space<hbm>>
      tpu.enqueue_indirect_dma source(%dma_start3A_893 : memref<100000x128xf32, #tpu.memory_space<hbm>>) target(%dma_start3A_887 : memref<128x128xf32, #tpu.memory_space<vmem>>) offsets(%dma_start3A_890 : memref<128xi32, #tpu.memory_space<vmem>>) semaphore(%arg8 : memref<!tpu.dma_semaphore, #tpu.memory_space<semaphore_mem>>)
    }
    %scan3A_269 = arith.constant 38 : i32
    %dma_wait3A_270 = arith.constant 0 : i32
    %dma_wait3A_271 = arith.constant 0 : i32
    %dma_wait3A_272 = arith.constant 0 : i32
    %dma_wait3A_273 = tpu.memref_slice %arg6[%dma_wait3A_270, %dma_wait3A_271, %dma_wait3A_272] : memref<5x128x128xf32, #tpu.memory_space<vmem>> -> memref<1x128x128xf32, #tpu.memory_space<vmem>>
    %dma_wait3A_274 = tpu.memref_squeeze %dma_wait3A_273 : memref<1x128x128xf32, #tpu.memory_space<vmem>> -> memref<128x128xf32, #tpu.memory_space<vmem>>
    %dma_wait3A_275 = arith.constant 0 : i32
    %dma_wait3A_276 = arith.constant 0 : i32
    %dma_wait3A_277 = tpu.memref_slice %arg3[%dma_wait3A_275, %dma_wait3A_276] : memref<100000x128xf32, #tpu.memory_space<hbm>> -> memref<128x128xf32, #tpu.memory_space<hbm>>
    %dma_wait3A_278 = arith.constant 0 : i32
    %dma_wait3A_279 = arith.constant 0 : i32
    %dma_wait3A_280 = tpu.memref_slice %arg6[%dma_wait3A_270, %dma_wait3A_278, %dma_wait3A_279] : memref<5x128x128xf32, #tpu.memory_space<vmem>> -> memref<1x128x128xf32, #tpu.memory_space<vmem>>
    %dma_wait3A_281 = tpu.memref_squeeze %dma_wait3A_280 : memref<1x128x128xf32, #tpu.memory_space<vmem>> -> memref<128x128xf32, #tpu.memory_space<vmem>>
    %dma_wait3A_282 = arith.constant 0 : i32
    %dma_wait3A_283 = arith.constant 0 : i32
    %dma_wait3A_284 = tpu.memref_slice %arg3[%dma_wait3A_282, %dma_wait3A_283] : memref<100000x128xf32, #tpu.memory_space<hbm>> -> memref<128x128xf32, #tpu.memory_space<hbm>>
    tpu.wait_dma2 semaphore(%arg7 : memref<!tpu.dma_semaphore, #tpu.memory_space<semaphore_mem>>) src(%dma_wait3A_284 : memref<128x128xf32, #tpu.memory_space<hbm>>) dst(%dma_wait3A_281 : memref<128x128xf32, #tpu.memory_space<vmem>>)
    %add3A_285 = arith.constant 24960 : i32
    %add3A_286 = arith.addi %mul3A_2, %add3A_285 : i32
    %dma_start3A_287 = arith.constant 0 : i32
    %dma_start3A_288 = arith.constant 0 : i32
    %dma_start3A_289 = arith.constant 0 : i32
    %dma_start3A_290 = tpu.memref_slice %arg6[%dma_start3A_287, %dma_start3A_288, %dma_start3A_289] : memref<5x128x128xf32, #tpu.memory_space<vmem>> -> memref<1x128x128xf32, #tpu.memory_space<vmem>>
    %dma_start3A_291 = tpu.memref_squeeze %dma_start3A_290 : memref<1x128x128xf32, #tpu.memory_space<vmem>> -> memref<128x128xf32, #tpu.memory_space<vmem>>
    %dma_start3A_292 = arith.constant 0 : i32
    %dma_start3A_293 = tpu.memref_slice %arg4[%add3A_286, %dma_start3A_292] : memref<819200x128xf32, #tpu.memory_space<hbm>> -> memref<128x128xf32, #tpu.memory_space<hbm>>
    %dma_start3A_294 = arith.constant 0 : i32
    %dma_start3A_295 = tpu.memref_slice %arg4[%add3A_286, %dma_start3A_294] : memref<819200x128xf32, #tpu.memory_space<hbm>> -> memref<128x128xf32, #tpu.memory_space<hbm>>
    %dma_start3A_296 = arith.constant 0 : i32
    %dma_start3A_297 = arith.constant 0 : i32
    %dma_start3A_298 = tpu.memref_slice %arg6[%dma_start3A_287, %dma_start3A_296, %dma_start3A_297] : memref<5x128x128xf32, #tpu.memory_space<vmem>> -> memref<1x128x128xf32, #tpu.memory_space<vmem>>
    %dma_start3A_299 = tpu.memref_squeeze %dma_start3A_298 : memref<1x128x128xf32, #tpu.memory_space<vmem>> -> memref<128x128xf32, #tpu.memory_space<vmem>>
    tpu.enqueue_dma source(%dma_start3A_299 : memref<128x128xf32, #tpu.memory_space<vmem>>) target(%dma_start3A_295 : memref<128x128xf32, #tpu.memory_space<hbm>>) target_semaphore(%arg12 : memref<!tpu.dma_semaphore, #tpu.memory_space<semaphore_mem>>)
    %dma_wait3A_300 = arith.constant 2 : i32
    %dma_wait3A_301 = arith.constant 0 : i32
    %dma_wait3A_302 = arith.constant 0 : i32
    %dma_wait3A_303 = tpu.memref_slice %arg6[%dma_wait3A_300, %dma_wait3A_301, %dma_wait3A_302] : memref<5x128x128xf32, #tpu.memory_space<vmem>> -> memref<1x128x128xf32, #tpu.memory_space<vmem>>
    %dma_wait3A_304 = tpu.memref_squeeze %dma_wait3A_303 : memref<1x128x128xf32, #tpu.memory_space<vmem>> -> memref<128x128xf32, #tpu.memory_space<vmem>>
    %dma_wait3A_305 = arith.constant 0 : i32
    %dma_wait3A_306 = arith.constant 0 : i32
    %dma_wait3A_307 = tpu.memref_slice %arg4[%dma_wait3A_305, %dma_wait3A_306] : memref<819200x128xf32, #tpu.memory_space<hbm>> -> memref<128x128xf32, #tpu.memory_space<hbm>>
    %dma_wait3A_308 = arith.constant 0 : i32
    %dma_wait3A_309 = arith.constant 0 : i32
    %dma_wait3A_310 = tpu.memref_slice %arg4[%dma_wait3A_308, %dma_wait3A_309] : memref<819200x128xf32, #tpu.memory_space<hbm>> -> memref<128x128xf32, #tpu.memory_space<hbm>>
    %dma_wait3A_311 = arith.constant 0 : i32
    %dma_wait3A_312 = arith.constant 0 : i32
    %dma_wait3A_313 = tpu.memref_slice %arg6[%dma_wait3A_300, %dma_wait3A_311, %dma_wait3A_312] : memref<5x128x128xf32, #tpu.memory_space<vmem>> -> memref<1x128x128xf32, #tpu.memory_space<vmem>>
    %dma_wait3A_314 = tpu.memref_squeeze %dma_wait3A_313 : memref<1x128x128xf32, #tpu.memory_space<vmem>> -> memref<128x128xf32, #tpu.memory_space<vmem>>
    tpu.wait_dma2 semaphore(%arg14 : memref<!tpu.dma_semaphore, #tpu.memory_space<semaphore_mem>>) src(%dma_wait3A_314 : memref<128x128xf32, #tpu.memory_space<vmem>>) dst(%dma_wait3A_310 : memref<128x128xf32, #tpu.memory_space<hbm>>)
    %dma_start3A_315 = arith.constant 197 : i32
    %dma_start3A_316 = arith.constant 2 : i32
    %dma_start3A_317 = arith.constant 0 : i32
    %dma_start3A_318 = arith.constant 0 : i32
    %dma_start3A_319 = tpu.memref_slice %arg6[%dma_start3A_316, %dma_start3A_317, %dma_start3A_318] : memref<5x128x128xf32, #tpu.memory_space<vmem>> -> memref<1x128x128xf32, #tpu.memory_space<vmem>>
    %dma_start3A_320 = tpu.memref_squeeze %dma_start3A_319 : memref<1x128x128xf32, #tpu.memory_space<vmem>> -> memref<128x128xf32, #tpu.memory_space<vmem>>
    %dma_start3A_321 = arith.constant 0 : i32
    %dma_start3A_322 = tpu.memref_slice %arg5[%dma_start3A_315, %dma_start3A_321] : memref<200x128xi32, #tpu.memory_space<vmem>> -> memref<1x128xi32, #tpu.memory_space<vmem>>
    %dma_start3A_323 = tpu.memref_squeeze %dma_start3A_322 : memref<1x128xi32, #tpu.memory_space<vmem>> -> memref<128xi32, #tpu.memory_space<vmem>>
    %dma_start3A_324 = arith.constant 0 : i32
    %dma_start3A_325 = arith.constant 0 : i32
    %dma_start3A_326 = tpu.memref_slice %arg3[%dma_start3A_324, %dma_start3A_325] : memref<100000x128xf32, #tpu.memory_space<hbm>> -> memref<100000x128xf32, #tpu.memory_space<hbm>>
    tpu.enqueue_indirect_dma source(%dma_start3A_326 : memref<100000x128xf32, #tpu.memory_space<hbm>>) target(%dma_start3A_320 : memref<128x128xf32, #tpu.memory_space<vmem>>) offsets(%dma_start3A_323 : memref<128xi32, #tpu.memory_space<vmem>>) semaphore(%arg9 : memref<!tpu.dma_semaphore, #tpu.memory_space<semaphore_mem>>)
    %dma_wait3A_327 = arith.constant 1 : i32
    %dma_wait3A_328 = arith.constant 0 : i32
    %dma_wait3A_329 = arith.constant 0 : i32
    %dma_wait3A_330 = tpu.memref_slice %arg6[%dma_wait3A_327, %dma_wait3A_328, %dma_wait3A_329] : memref<5x128x128xf32, #tpu.memory_space<vmem>> -> memref<1x128x128xf32, #tpu.memory_space<vmem>>
    %dma_wait3A_331 = tpu.memref_squeeze %dma_wait3A_330 : memref<1x128x128xf32, #tpu.memory_space<vmem>> -> memref<128x128xf32, #tpu.memory_space<vmem>>
    %dma_wait3A_332 = arith.constant 0 : i32
    %dma_wait3A_333 = arith.constant 0 : i32
    %dma_wait3A_334 = tpu.memref_slice %arg3[%dma_wait3A_332, %dma_wait3A_333] : memref<100000x128xf32, #tpu.memory_space<hbm>> -> memref<128x128xf32, #tpu.memory_space<hbm>>
    %dma_wait3A_335 = arith.constant 0 : i32
    %dma_wait3A_336 = arith.constant 0 : i32
    %dma_wait3A_337 = tpu.memref_slice %arg6[%dma_wait3A_327, %dma_wait3A_335, %dma_wait3A_336] : memref<5x128x128xf32, #tpu.memory_space<vmem>> -> memref<1x128x128xf32, #tpu.memory_space<vmem>>
    %dma_wait3A_338 = tpu.memref_squeeze %dma_wait3A_337 : memref<1x128x128xf32, #tpu.memory_space<vmem>> -> memref<128x128xf32, #tpu.memory_space<vmem>>
    %dma_wait3A_339 = arith.constant 0 : i32
    %dma_wait3A_340 = arith.constant 0 : i32
    %dma_wait3A_341 = tpu.memref_slice %arg3[%dma_wait3A_339, %dma_wait3A_340] : memref<100000x128xf32, #tpu.memory_space<hbm>> -> memref<128x128xf32, #tpu.memory_space<hbm>>
    tpu.wait_dma2 semaphore(%arg8 : memref<!tpu.dma_semaphore, #tpu.memory_space<semaphore_mem>>) src(%dma_wait3A_341 : memref<128x128xf32, #tpu.memory_space<hbm>>) dst(%dma_wait3A_338 : memref<128x128xf32, #tpu.memory_space<vmem>>)
    %add3A_342 = arith.constant 25088 : i32
    %add3A_343 = arith.addi %mul3A_2, %add3A_342 : i32
    %dma_start3A_344 = arith.constant 1 : i32
    %dma_start3A_345 = arith.constant 0 : i32
    %dma_start3A_346 = arith.constant 0 : i32
    %dma_start3A_347 = tpu.memref_slice %arg6[%dma_start3A_344, %dma_start3A_345, %dma_start3A_346] : memref<5x128x128xf32, #tpu.memory_space<vmem>> -> memref<1x128x128xf32, #tpu.memory_space<vmem>>
    %dma_start3A_348 = tpu.memref_squeeze %dma_start3A_347 : memref<1x128x128xf32, #tpu.memory_space<vmem>> -> memref<128x128xf32, #tpu.memory_space<vmem>>
    %dma_start3A_349 = arith.constant 0 : i32
    %dma_start3A_350 = tpu.memref_slice %arg4[%add3A_343, %dma_start3A_349] : memref<819200x128xf32, #tpu.memory_space<hbm>> -> memref<128x128xf32, #tpu.memory_space<hbm>>
    %dma_start3A_351 = arith.constant 0 : i32
    %dma_start3A_352 = tpu.memref_slice %arg4[%add3A_343, %dma_start3A_351] : memref<819200x128xf32, #tpu.memory_space<hbm>> -> memref<128x128xf32, #tpu.memory_space<hbm>>
    %dma_start3A_353 = arith.constant 0 : i32
    %dma_start3A_354 = arith.constant 0 : i32
    %dma_start3A_355 = tpu.memref_slice %arg6[%dma_start3A_344, %dma_start3A_353, %dma_start3A_354] : memref<5x128x128xf32, #tpu.memory_space<vmem>> -> memref<1x128x128xf32, #tpu.memory_space<vmem>>
    %dma_start3A_356 = tpu.memref_squeeze %dma_start3A_355 : memref<1x128x128xf32, #tpu.memory_space<vmem>> -> memref<128x128xf32, #tpu.memory_space<vmem>>
    tpu.enqueue_dma source(%dma_start3A_356 : memref<128x128xf32, #tpu.memory_space<vmem>>) target(%dma_start3A_352 : memref<128x128xf32, #tpu.memory_space<hbm>>) target_semaphore(%arg13 : memref<!tpu.dma_semaphore, #tpu.memory_space<semaphore_mem>>)
    %dma_wait3A_357 = arith.constant 3 : i32
    %dma_wait3A_358 = arith.constant 0 : i32
    %dma_wait3A_359 = arith.constant 0 : i32
    %dma_wait3A_360 = tpu.memref_slice %arg6[%dma_wait3A_357, %dma_wait3A_358, %dma_wait3A_359] : memref<5x128x128xf32, #tpu.memory_space<vmem>> -> memref<1x128x128xf32, #tpu.memory_space<vmem>>
    %dma_wait3A_361 = tpu.memref_squeeze %dma_wait3A_360 : memref<1x128x128xf32, #tpu.memory_space<vmem>> -> memref<128x128xf32, #tpu.memory_space<vmem>>
    %dma_wait3A_362 = arith.constant 0 : i32
    %dma_wait3A_363 = arith.constant 0 : i32
    %dma_wait3A_364 = tpu.memref_slice %arg4[%dma_wait3A_362, %dma_wait3A_363] : memref<819200x128xf32, #tpu.memory_space<hbm>> -> memref<128x128xf32, #tpu.memory_space<hbm>>
    %dma_wait3A_365 = arith.constant 0 : i32
    %dma_wait3A_366 = arith.constant 0 : i32
    %dma_wait3A_367 = tpu.memref_slice %arg4[%dma_wait3A_365, %dma_wait3A_366] : memref<819200x128xf32, #tpu.memory_space<hbm>> -> memref<128x128xf32, #tpu.memory_space<hbm>>
    %dma_wait3A_368 = arith.constant 0 : i32
    %dma_wait3A_369 = arith.constant 0 : i32
    %dma_wait3A_370 = tpu.memref_slice %arg6[%dma_wait3A_357, %dma_wait3A_368, %dma_wait3A_369] : memref<5x128x128xf32, #tpu.memory_space<vmem>> -> memref<1x128x128xf32, #tpu.memory_space<vmem>>
    %dma_wait3A_371 = tpu.memref_squeeze %dma_wait3A_370 : memref<1x128x128xf32, #tpu.memory_space<vmem>> -> memref<128x128xf32, #tpu.memory_space<vmem>>
    tpu.wait_dma2 semaphore(%arg15 : memref<!tpu.dma_semaphore, #tpu.memory_space<semaphore_mem>>) src(%dma_wait3A_371 : memref<128x128xf32, #tpu.memory_space<vmem>>) dst(%dma_wait3A_367 : memref<128x128xf32, #tpu.memory_space<hbm>>)
    %dma_start3A_372 = arith.constant 198 : i32
    %dma_start3A_373 = arith.constant 3 : i32
    %dma_start3A_374 = arith.constant 0 : i32
    %dma_start3A_375 = arith.constant 0 : i32
    %dma_start3A_376 = tpu.memref_slice %arg6[%dma_start3A_373, %dma_start3A_374, %dma_start3A_375] : memref<5x128x128xf32, #tpu.memory_space<vmem>> -> memref<1x128x128xf32, #tpu.memory_space<vmem>>
    %dma_start3A_377 = tpu.memref_squeeze %dma_start3A_376 : memref<1x128x128xf32, #tpu.memory_space<vmem>> -> memref<128x128xf32, #tpu.memory_space<vmem>>
    %dma_start3A_378 = arith.constant 0 : i32
    %dma_start3A_379 = tpu.memref_slice %arg5[%dma_start3A_372, %dma_start3A_378] : memref<200x128xi32, #tpu.memory_space<vmem>> -> memref<1x128xi32, #tpu.memory_space<vmem>>
    %dma_start3A_380 = tpu.memref_squeeze %dma_start3A_379 : memref<1x128xi32, #tpu.memory_space<vmem>> -> memref<128xi32, #tpu.memory_space<vmem>>
    %dma_start3A_381 = arith.constant 0 : i32
    %dma_start3A_382 = arith.constant 0 : i32
    %dma_start3A_383 = tpu.memref_slice %arg3[%dma_start3A_381, %dma_start3A_382] : memref<100000x128xf32, #tpu.memory_space<hbm>> -> memref<100000x128xf32, #tpu.memory_space<hbm>>
    tpu.enqueue_indirect_dma source(%dma_start3A_383 : memref<100000x128xf32, #tpu.memory_space<hbm>>) target(%dma_start3A_377 : memref<128x128xf32, #tpu.memory_space<vmem>>) offsets(%dma_start3A_380 : memref<128xi32, #tpu.memory_space<vmem>>) semaphore(%arg10 : memref<!tpu.dma_semaphore, #tpu.memory_space<semaphore_mem>>)
    %dma_wait3A_384 = arith.constant 2 : i32
    %dma_wait3A_385 = arith.constant 0 : i32
    %dma_wait3A_386 = arith.constant 0 : i32
    %dma_wait3A_387 = tpu.memref_slice %arg6[%dma_wait3A_384, %dma_wait3A_385, %dma_wait3A_386] : memref<5x128x128xf32, #tpu.memory_space<vmem>> -> memref<1x128x128xf32, #tpu.memory_space<vmem>>
    %dma_wait3A_388 = tpu.memref_squeeze %dma_wait3A_387 : memref<1x128x128xf32, #tpu.memory_space<vmem>> -> memref<128x128xf32, #tpu.memory_space<vmem>>
    %dma_wait3A_389 = arith.constant 0 : i32
    %dma_wait3A_390 = arith.constant 0 : i32
    %dma_wait3A_391 = tpu.memref_slice %arg3[%dma_wait3A_389, %dma_wait3A_390] : memref<100000x128xf32, #tpu.memory_space<hbm>> -> memref<128x128xf32, #tpu.memory_space<hbm>>
    %dma_wait3A_392 = arith.constant 0 : i32
    %dma_wait3A_393 = arith.constant 0 : i32
    %dma_wait3A_394 = tpu.memref_slice %arg6[%dma_wait3A_384, %dma_wait3A_392, %dma_wait3A_393] : memref<5x128x128xf32, #tpu.memory_space<vmem>> -> memref<1x128x128xf32, #tpu.memory_space<vmem>>
    %dma_wait3A_395 = tpu.memref_squeeze %dma_wait3A_394 : memref<1x128x128xf32, #tpu.memory_space<vmem>> -> memref<128x128xf32, #tpu.memory_space<vmem>>
    %dma_wait3A_396 = arith.constant 0 : i32
    %dma_wait3A_397 = arith.constant 0 : i32
    %dma_wait3A_398 = tpu.memref_slice %arg3[%dma_wait3A_396, %dma_wait3A_397] : memref<100000x128xf32, #tpu.memory_space<hbm>> -> memref<128x128xf32, #tpu.memory_space<hbm>>
    tpu.wait_dma2 semaphore(%arg9 : memref<!tpu.dma_semaphore, #tpu.memory_space<semaphore_mem>>) src(%dma_wait3A_398 : memref<128x128xf32, #tpu.memory_space<hbm>>) dst(%dma_wait3A_395 : memref<128x128xf32, #tpu.memory_space<vmem>>)
    %add3A_399 = arith.constant 25216 : i32
    %add3A_400 = arith.addi %mul3A_2, %add3A_399 : i32
    %dma_start3A_401 = arith.constant 2 : i32
    %dma_start3A_402 = arith.constant 0 : i32
    %dma_start3A_403 = arith.constant 0 : i32
    %dma_start3A_404 = tpu.memref_slice %arg6[%dma_start3A_401, %dma_start3A_402, %dma_start3A_403] : memref<5x128x128xf32, #tpu.memory_space<vmem>> -> memref<1x128x128xf32, #tpu.memory_space<vmem>>
    %dma_start3A_405 = tpu.memref_squeeze %dma_start3A_404 : memref<1x128x128xf32, #tpu.memory_space<vmem>> -> memref<128x128xf32, #tpu.memory_space<vmem>>
    %dma_start3A_406 = arith.constant 0 : i32
    %dma_start3A_407 = tpu.memref_slice %arg4[%add3A_400, %dma_start3A_406] : memref<819200x128xf32, #tpu.memory_space<hbm>> -> memref<128x128xf32, #tpu.memory_space<hbm>>
    %dma_start3A_408 = arith.constant 0 : i32
    %dma_start3A_409 = tpu.memref_slice %arg4[%add3A_400, %dma_start3A_408] : memref<819200x128xf32, #tpu.memory_space<hbm>> -> memref<128x128xf32, #tpu.memory_space<hbm>>
    %dma_start3A_410 = arith.constant 0 : i32
    %dma_start3A_411 = arith.constant 0 : i32
    %dma_start3A_412 = tpu.memref_slice %arg6[%dma_start3A_401, %dma_start3A_410, %dma_start3A_411] : memref<5x128x128xf32, #tpu.memory_space<vmem>> -> memref<1x128x128xf32, #tpu.memory_space<vmem>>
    %dma_start3A_413 = tpu.memref_squeeze %dma_start3A_412 : memref<1x128x128xf32, #tpu.memory_space<vmem>> -> memref<128x128xf32, #tpu.memory_space<vmem>>
    tpu.enqueue_dma source(%dma_start3A_413 : memref<128x128xf32, #tpu.memory_space<vmem>>) target(%dma_start3A_409 : memref<128x128xf32, #tpu.memory_space<hbm>>) target_semaphore(%arg14 : memref<!tpu.dma_semaphore, #tpu.memory_space<semaphore_mem>>)
    %dma_wait3A_414 = arith.constant 4 : i32
    %dma_wait3A_415 = arith.constant 0 : i32
    %dma_wait3A_416 = arith.constant 0 : i32
    %dma_wait3A_417 = tpu.memref_slice %arg6[%dma_wait3A_414, %dma_wait3A_415, %dma_wait3A_416] : memref<5x128x128xf32, #tpu.memory_space<vmem>> -> memref<1x128x128xf32, #tpu.memory_space<vmem>>
    %dma_wait3A_418 = tpu.memref_squeeze %dma_wait3A_417 : memref<1x128x128xf32, #tpu.memory_space<vmem>> -> memref<128x128xf32, #tpu.memory_space<vmem>>
    %dma_wait3A_419 = arith.constant 0 : i32
    %dma_wait3A_420 = arith.constant 0 : i32
    %dma_wait3A_421 = tpu.memref_slice %arg4[%dma_wait3A_419, %dma_wait3A_420] : memref<819200x128xf32, #tpu.memory_space<hbm>> -> memref<128x128xf32, #tpu.memory_space<hbm>>
    %dma_wait3A_422 = arith.constant 0 : i32
    %dma_wait3A_423 = arith.constant 0 : i32
    %dma_wait3A_424 = tpu.memref_slice %arg4[%dma_wait3A_422, %dma_wait3A_423] : memref<819200x128xf32, #tpu.memory_space<hbm>> -> memref<128x128xf32, #tpu.memory_space<hbm>>
    %dma_wait3A_425 = arith.constant 0 : i32
    %dma_wait3A_426 = arith.constant 0 : i32
    %dma_wait3A_427 = tpu.memref_slice %arg6[%dma_wait3A_414, %dma_wait3A_425, %dma_wait3A_426] : memref<5x128x128xf32, #tpu.memory_space<vmem>> -> memref<1x128x128xf32, #tpu.memory_space<vmem>>
    %dma_wait3A_428 = tpu.memref_squeeze %dma_wait3A_427 : memref<1x128x128xf32, #tpu.memory_space<vmem>> -> memref<128x128xf32, #tpu.memory_space<vmem>>
    tpu.wait_dma2 semaphore(%arg16 : memref<!tpu.dma_semaphore, #tpu.memory_space<semaphore_mem>>) src(%dma_wait3A_428 : memref<128x128xf32, #tpu.memory_space<vmem>>) dst(%dma_wait3A_424 : memref<128x128xf32, #tpu.memory_space<hbm>>)
    %dma_start3A_429 = arith.constant 199 : i32
    %dma_start3A_430 = arith.constant 4 : i32
    %dma_start3A_431 = arith.constant 0 : i32
    %dma_start3A_432 = arith.constant 0 : i32
    %dma_start3A_433 = tpu.memref_slice %arg6[%dma_start3A_430, %dma_start3A_431, %dma_start3A_432] : memref<5x128x128xf32, #tpu.memory_space<vmem>> -> memref<1x128x128xf32, #tpu.memory_space<vmem>>
    %dma_start3A_434 = tpu.memref_squeeze %dma_start3A_433 : memref<1x128x128xf32, #tpu.memory_space<vmem>> -> memref<128x128xf32, #tpu.memory_space<vmem>>
    %dma_start3A_435 = arith.constant 0 : i32
    %dma_start3A_436 = tpu.memref_slice %arg5[%dma_start3A_429, %dma_start3A_435] : memref<200x128xi32, #tpu.memory_space<vmem>> -> memref<1x128xi32, #tpu.memory_space<vmem>>
    %dma_start3A_437 = tpu.memref_squeeze %dma_start3A_436 : memref<1x128xi32, #tpu.memory_space<vmem>> -> memref<128xi32, #tpu.memory_space<vmem>>
    %dma_start3A_438 = arith.constant 0 : i32
    %dma_start3A_439 = arith.constant 0 : i32
    %dma_start3A_440 = tpu.memref_slice %arg3[%dma_start3A_438, %dma_start3A_439] : memref<100000x128xf32, #tpu.memory_space<hbm>> -> memref<100000x128xf32, #tpu.memory_space<hbm>>
    tpu.enqueue_indirect_dma source(%dma_start3A_440 : memref<100000x128xf32, #tpu.memory_space<hbm>>) target(%dma_start3A_434 : memref<128x128xf32, #tpu.memory_space<vmem>>) offsets(%dma_start3A_437 : memref<128xi32, #tpu.memory_space<vmem>>) semaphore(%arg11 : memref<!tpu.dma_semaphore, #tpu.memory_space<semaphore_mem>>)
    %dma_wait3A_441 = arith.constant 3 : i32
    %dma_wait3A_442 = arith.constant 0 : i32
    %dma_wait3A_443 = arith.constant 0 : i32
    %dma_wait3A_444 = tpu.memref_slice %arg6[%dma_wait3A_441, %dma_wait3A_442, %dma_wait3A_443] : memref<5x128x128xf32, #tpu.memory_space<vmem>> -> memref<1x128x128xf32, #tpu.memory_space<vmem>>
    %dma_wait3A_445 = tpu.memref_squeeze %dma_wait3A_444 : memref<1x128x128xf32, #tpu.memory_space<vmem>> -> memref<128x128xf32, #tpu.memory_space<vmem>>
    %dma_wait3A_446 = arith.constant 0 : i32
    %dma_wait3A_447 = arith.constant 0 : i32
    %dma_wait3A_448 = tpu.memref_slice %arg3[%dma_wait3A_446, %dma_wait3A_447] : memref<100000x128xf32, #tpu.memory_space<hbm>> -> memref<128x128xf32, #tpu.memory_space<hbm>>
    %dma_wait3A_449 = arith.constant 0 : i32
    %dma_wait3A_450 = arith.constant 0 : i32
    %dma_wait3A_451 = tpu.memref_slice %arg6[%dma_wait3A_441, %dma_wait3A_449, %dma_wait3A_450] : memref<5x128x128xf32, #tpu.memory_space<vmem>> -> memref<1x128x128xf32, #tpu.memory_space<vmem>>
    %dma_wait3A_452 = tpu.memref_squeeze %dma_wait3A_451 : memref<1x128x128xf32, #tpu.memory_space<vmem>> -> memref<128x128xf32, #tpu.memory_space<vmem>>
    %dma_wait3A_453 = arith.constant 0 : i32
    %dma_wait3A_454 = arith.constant 0 : i32
    %dma_wait3A_455 = tpu.memref_slice %arg3[%dma_wait3A_453, %dma_wait3A_454] : memref<100000x128xf32, #tpu.memory_space<hbm>> -> memref<128x128xf32, #tpu.memory_space<hbm>>
    tpu.wait_dma2 semaphore(%arg10 : memref<!tpu.dma_semaphore, #tpu.memory_space<semaphore_mem>>) src(%dma_wait3A_455 : memref<128x128xf32, #tpu.memory_space<hbm>>) dst(%dma_wait3A_452 : memref<128x128xf32, #tpu.memory_space<vmem>>)
    %add3A_456 = arith.constant 25344 : i32
    %add3A_457 = arith.addi %mul3A_2, %add3A_456 : i32
    %dma_start3A_458 = arith.constant 3 : i32
    %dma_start3A_459 = arith.constant 0 : i32
    %dma_start3A_460 = arith.constant 0 : i32
    %dma_start3A_461 = tpu.memref_slice %arg6[%dma_start3A_458, %dma_start3A_459, %dma_start3A_460] : memref<5x128x128xf32, #tpu.memory_space<vmem>> -> memref<1x128x128xf32, #tpu.memory_space<vmem>>
    %dma_start3A_462 = tpu.memref_squeeze %dma_start3A_461 : memref<1x128x128xf32, #tpu.memory_space<vmem>> -> memref<128x128xf32, #tpu.memory_space<vmem>>
    %dma_start3A_463 = arith.constant 0 : i32
    %dma_start3A_464 = tpu.memref_slice %arg4[%add3A_457, %dma_start3A_463] : memref<819200x128xf32, #tpu.memory_space<hbm>> -> memref<128x128xf32, #tpu.memory_space<hbm>>
    %dma_start3A_465 = arith.constant 0 : i32
    %dma_start3A_466 = tpu.memref_slice %arg4[%add3A_457, %dma_start3A_465] : memref<819200x128xf32, #tpu.memory_space<hbm>> -> memref<128x128xf32, #tpu.memory_space<hbm>>
    %dma_start3A_467 = arith.constant 0 : i32
    %dma_start3A_468 = arith.constant 0 : i32
    %dma_start3A_469 = tpu.memref_slice %arg6[%dma_start3A_458, %dma_start3A_467, %dma_start3A_468] : memref<5x128x128xf32, #tpu.memory_space<vmem>> -> memref<1x128x128xf32, #tpu.memory_space<vmem>>
    %dma_start3A_470 = tpu.memref_squeeze %dma_start3A_469 : memref<1x128x128xf32, #tpu.memory_space<vmem>> -> memref<128x128xf32, #tpu.memory_space<vmem>>
    tpu.enqueue_dma source(%dma_start3A_470 : memref<128x128xf32, #tpu.memory_space<vmem>>) target(%dma_start3A_466 : memref<128x128xf32, #tpu.memory_space<hbm>>) target_semaphore(%arg15 : memref<!tpu.dma_semaphore, #tpu.memory_space<semaphore_mem>>)
    %dma_wait3A_471 = arith.constant 4 : i32
    %dma_wait3A_472 = arith.constant 0 : i32
    %dma_wait3A_473 = arith.constant 0 : i32
    %dma_wait3A_474 = tpu.memref_slice %arg6[%dma_wait3A_471, %dma_wait3A_472, %dma_wait3A_473] : memref<5x128x128xf32, #tpu.memory_space<vmem>> -> memref<1x128x128xf32, #tpu.memory_space<vmem>>
    %dma_wait3A_475 = tpu.memref_squeeze %dma_wait3A_474 : memref<1x128x128xf32, #tpu.memory_space<vmem>> -> memref<128x128xf32, #tpu.memory_space<vmem>>
    %dma_wait3A_476 = arith.constant 0 : i32
    %dma_wait3A_477 = arith.constant 0 : i32
    %dma_wait3A_478 = tpu.memref_slice %arg3[%dma_wait3A_476, %dma_wait3A_477] : memref<100000x128xf32, #tpu.memory_space<hbm>> -> memref<128x128xf32, #tpu.memory_space<hbm>>
    %dma_wait3A_479 = arith.constant 0 : i32
    %dma_wait3A_480 = arith.constant 0 : i32
    %dma_wait3A_481 = tpu.memref_slice %arg6[%dma_wait3A_471, %dma_wait3A_479, %dma_wait3A_480] : memref<5x128x128xf32, #tpu.memory_space<vmem>> -> memref<1x128x128xf32, #tpu.memory_space<vmem>>
    %dma_wait3A_482 = tpu.memref_squeeze %dma_wait3A_481 : memref<1x128x128xf32, #tpu.memory_space<vmem>> -> memref<128x128xf32, #tpu.memory_space<vmem>>
    %dma_wait3A_483 = arith.constant 0 : i32
    %dma_wait3A_484 = arith.constant 0 : i32
    %dma_wait3A_485 = tpu.memref_slice %arg3[%dma_wait3A_483, %dma_wait3A_484] : memref<100000x128xf32, #tpu.memory_space<hbm>> -> memref<128x128xf32, #tpu.memory_space<hbm>>
    tpu.wait_dma2 semaphore(%arg11 : memref<!tpu.dma_semaphore, #tpu.memory_space<semaphore_mem>>) src(%dma_wait3A_485 : memref<128x128xf32, #tpu.memory_space<hbm>>) dst(%dma_wait3A_482 : memref<128x128xf32, #tpu.memory_space<vmem>>)
    %add3A_486 = arith.constant 25472 : i32
    %add3A_487 = arith.addi %mul3A_2, %add3A_486 : i32
    %dma_start3A_488 = arith.constant 4 : i32
    %dma_start3A_489 = arith.constant 0 : i32
    %dma_start3A_490 = arith.constant 0 : i32
    %dma_start3A_491 = tpu.memref_slice %arg6[%dma_start3A_488, %dma_start3A_489, %dma_start3A_490] : memref<5x128x128xf32, #tpu.memory_space<vmem>> -> memref<1x128x128xf32, #tpu.memory_space<vmem>>
    %dma_start3A_492 = tpu.memref_squeeze %dma_start3A_491 : memref<1x128x128xf32, #tpu.memory_space<vmem>> -> memref<128x128xf32, #tpu.memory_space<vmem>>
    %dma_start3A_493 = arith.constant 0 : i32
    %dma_start3A_494 = tpu.memref_slice %arg4[%add3A_487, %dma_start3A_493] : memref<819200x128xf32, #tpu.memory_space<hbm>> -> memref<128x128xf32, #tpu.memory_space<hbm>>
    %dma_start3A_495 = arith.constant 0 : i32
    %dma_start3A_496 = tpu.memref_slice %arg4[%add3A_487, %dma_start3A_495] : memref<819200x128xf32, #tpu.memory_space<hbm>> -> memref<128x128xf32, #tpu.memory_space<hbm>>
    %dma_start3A_497 = arith.constant 0 : i32
    %dma_start3A_498 = arith.constant 0 : i32
    %dma_start3A_499 = tpu.memref_slice %arg6[%dma_start3A_488, %dma_start3A_497, %dma_start3A_498] : memref<5x128x128xf32, #tpu.memory_space<vmem>> -> memref<1x128x128xf32, #tpu.memory_space<vmem>>
    %dma_start3A_500 = tpu.memref_squeeze %dma_start3A_499 : memref<1x128x128xf32, #tpu.memory_space<vmem>> -> memref<128x128xf32, #tpu.memory_space<vmem>>
    tpu.enqueue_dma source(%dma_start3A_500 : memref<128x128xf32, #tpu.memory_space<vmem>>) target(%dma_start3A_496 : memref<128x128xf32, #tpu.memory_space<hbm>>) target_semaphore(%arg16 : memref<!tpu.dma_semaphore, #tpu.memory_space<semaphore_mem>>)
    %dma_wait3A_501 = arith.constant 0 : i32
    %dma_wait3A_502 = arith.constant 0 : i32
    %dma_wait3A_503 = arith.constant 0 : i32
    %dma_wait3A_504 = tpu.memref_slice %arg6[%dma_wait3A_501, %dma_wait3A_502, %dma_wait3A_503] : memref<5x128x128xf32, #tpu.memory_space<vmem>> -> memref<1x128x128xf32, #tpu.memory_space<vmem>>
    %dma_wait3A_505 = tpu.memref_squeeze %dma_wait3A_504 : memref<1x128x128xf32, #tpu.memory_space<vmem>> -> memref<128x128xf32, #tpu.memory_space<vmem>>
    %dma_wait3A_506 = arith.constant 0 : i32
    %dma_wait3A_507 = arith.constant 0 : i32
    %dma_wait3A_508 = tpu.memref_slice %arg4[%dma_wait3A_506, %dma_wait3A_507] : memref<819200x128xf32, #tpu.memory_space<hbm>> -> memref<128x128xf32, #tpu.memory_space<hbm>>
    %dma_wait3A_509 = arith.constant 0 : i32
    %dma_wait3A_510 = arith.constant 0 : i32
    %dma_wait3A_511 = tpu.memref_slice %arg4[%dma_wait3A_509, %dma_wait3A_510] : memref<819200x128xf32, #tpu.memory_space<hbm>> -> memref<128x128xf32, #tpu.memory_space<hbm>>
    %dma_wait3A_512 = arith.constant 0 : i32
    %dma_wait3A_513 = arith.constant 0 : i32
    %dma_wait3A_514 = tpu.memref_slice %arg6[%dma_wait3A_501, %dma_wait3A_512, %dma_wait3A_513] : memref<5x128x128xf32, #tpu.memory_space<vmem>> -> memref<1x128x128xf32, #tpu.memory_space<vmem>>
    %dma_wait3A_515 = tpu.memref_squeeze %dma_wait3A_514 : memref<1x128x128xf32, #tpu.memory_space<vmem>> -> memref<128x128xf32, #tpu.memory_space<vmem>>
    tpu.wait_dma2 semaphore(%arg12 : memref<!tpu.dma_semaphore, #tpu.memory_space<semaphore_mem>>) src(%dma_wait3A_515 : memref<128x128xf32, #tpu.memory_space<vmem>>) dst(%dma_wait3A_511 : memref<128x128xf32, #tpu.memory_space<hbm>>)
    %dma_wait3A_516 = arith.constant 1 : i32
    %dma_wait3A_517 = arith.constant 0 : i32
    %dma_wait3A_518 = arith.constant 0 : i32
    %dma_wait3A_519 = tpu.memref_slice %arg6[%dma_wait3A_516, %dma_wait3A_517, %dma_wait3A_518] : memref<5x128x128xf32, #tpu.memory_space<vmem>> -> memref<1x128x128xf32, #tpu.memory_space<vmem>>
    %dma_wait3A_520 = tpu.memref_squeeze %dma_wait3A_519 : memref<1x128x128xf32, #tpu.memory_space<vmem>> -> memref<128x128xf32, #tpu.memory_space<vmem>>
    %dma_wait3A_521 = arith.constant 0 : i32
    %dma_wait3A_522 = arith.constant 0 : i32
    %dma_wait3A_523 = tpu.memref_slice %arg4[%dma_wait3A_521, %dma_wait3A_522] : memref<819200x128xf32, #tpu.memory_space<hbm>> -> memref<128x128xf32, #tpu.memory_space<hbm>>
    %dma_wait3A_524 = arith.constant 0 : i32
    %dma_wait3A_525 = arith.constant 0 : i32
    %dma_wait3A_526 = tpu.memref_slice %arg4[%dma_wait3A_524, %dma_wait3A_525] : memref<819200x128xf32, #tpu.memory_space<hbm>> -> memref<128x128xf32, #tpu.memory_space<hbm>>
    %dma_wait3A_527 = arith.constant 0 : i32
    %dma_wait3A_528 = arith.constant 0 : i32
    %dma_wait3A_529 = tpu.memref_slice %arg6[%dma_wait3A_516, %dma_wait3A_527, %dma_wait3A_528] : memref<5x128x128xf32, #tpu.memory_space<vmem>> -> memref<1x128x128xf32, #tpu.memory_space<vmem>>
    %dma_wait3A_530 = tpu.memref_squeeze %dma_wait3A_529 : memref<1x128x128xf32, #tpu.memory_space<vmem>> -> memref<128x128xf32, #tpu.memory_space<vmem>>
    tpu.wait_dma2 semaphore(%arg13 : memref<!tpu.dma_semaphore, #tpu.memory_space<semaphore_mem>>) src(%dma_wait3A_530 : memref<128x128xf32, #tpu.memory_space<vmem>>) dst(%dma_wait3A_526 : memref<128x128xf32, #tpu.memory_space<hbm>>)
    %dma_wait3A_531 = arith.constant 2 : i32
    %dma_wait3A_532 = arith.constant 0 : i32
    %dma_wait3A_533 = arith.constant 0 : i32
    %dma_wait3A_534 = tpu.memref_slice %arg6[%dma_wait3A_531, %dma_wait3A_532, %dma_wait3A_533] : memref<5x128x128xf32, #tpu.memory_space<vmem>> -> memref<1x128x128xf32, #tpu.memory_space<vmem>>
    %dma_wait3A_535 = tpu.memref_squeeze %dma_wait3A_534 : memref<1x128x128xf32, #tpu.memory_space<vmem>> -> memref<128x128xf32, #tpu.memory_space<vmem>>
    %dma_wait3A_536 = arith.constant 0 : i32
    %dma_wait3A_537 = arith.constant 0 : i32
    %dma_wait3A_538 = tpu.memref_slice %arg4[%dma_wait3A_536, %dma_wait3A_537] : memref<819200x128xf32, #tpu.memory_space<hbm>> -> memref<128x128xf32, #tpu.memory_space<hbm>>
    %dma_wait3A_539 = arith.constant 0 : i32
    %dma_wait3A_540 = arith.constant 0 : i32
    %dma_wait3A_541 = tpu.memref_slice %arg4[%dma_wait3A_539, %dma_wait3A_540] : memref<819200x128xf32, #tpu.memory_space<hbm>> -> memref<128x128xf32, #tpu.memory_space<hbm>>
    %dma_wait3A_542 = arith.constant 0 : i32
    %dma_wait3A_543 = arith.constant 0 : i32
    %dma_wait3A_544 = tpu.memref_slice %arg6[%dma_wait3A_531, %dma_wait3A_542, %dma_wait3A_543] : memref<5x128x128xf32, #tpu.memory_space<vmem>> -> memref<1x128x128xf32, #tpu.memory_space<vmem>>
    %dma_wait3A_545 = tpu.memref_squeeze %dma_wait3A_544 : memref<1x128x128xf32, #tpu.memory_space<vmem>> -> memref<128x128xf32, #tpu.memory_space<vmem>>
    tpu.wait_dma2 semaphore(%arg14 : memref<!tpu.dma_semaphore, #tpu.memory_space<semaphore_mem>>) src(%dma_wait3A_545 : memref<128x128xf32, #tpu.memory_space<vmem>>) dst(%dma_wait3A_541 : memref<128x128xf32, #tpu.memory_space<hbm>>)
    %dma_wait3A_546 = arith.constant 3 : i32
    %dma_wait3A_547 = arith.constant 0 : i32
    %dma_wait3A_548 = arith.constant 0 : i32
    %dma_wait3A_549 = tpu.memref_slice %arg6[%dma_wait3A_546, %dma_wait3A_547, %dma_wait3A_548] : memref<5x128x128xf32, #tpu.memory_space<vmem>> -> memref<1x128x128xf32, #tpu.memory_space<vmem>>
    %dma_wait3A_550 = tpu.memref_squeeze %dma_wait3A_549 : memref<1x128x128xf32, #tpu.memory_space<vmem>> -> memref<128x128xf32, #tpu.memory_space<vmem>>
    %dma_wait3A_551 = arith.constant 0 : i32
    %dma_wait3A_552 = arith.constant 0 : i32
    %dma_wait3A_553 = tpu.memref_slice %arg4[%dma_wait3A_551, %dma_wait3A_552] : memref<819200x128xf32, #tpu.memory_space<hbm>> -> memref<128x128xf32, #tpu.memory_space<hbm>>
    %dma_wait3A_554 = arith.constant 0 : i32
    %dma_wait3A_555 = arith.constant 0 : i32
    %dma_wait3A_556 = tpu.memref_slice %arg4[%dma_wait3A_554, %dma_wait3A_555] : memref<819200x128xf32, #tpu.memory_space<hbm>> -> memref<128x128xf32, #tpu.memory_space<hbm>>
    %dma_wait3A_557 = arith.constant 0 : i32
    %dma_wait3A_558 = arith.constant 0 : i32
    %dma_wait3A_559 = tpu.memref_slice %arg6[%dma_wait3A_546, %dma_wait3A_557, %dma_wait3A_558] : memref<5x128x128xf32, #tpu.memory_space<vmem>> -> memref<1x128x128xf32, #tpu.memory_space<vmem>>
    %dma_wait3A_560 = tpu.memref_squeeze %dma_wait3A_559 : memref<1x128x128xf32, #tpu.memory_space<vmem>> -> memref<128x128xf32, #tpu.memory_space<vmem>>
    tpu.wait_dma2 semaphore(%arg15 : memref<!tpu.dma_semaphore, #tpu.memory_space<semaphore_mem>>) src(%dma_wait3A_560 : memref<128x128xf32, #tpu.memory_space<vmem>>) dst(%dma_wait3A_556 : memref<128x128xf32, #tpu.memory_space<hbm>>)
    %dma_wait3A_561 = arith.constant 4 : i32
    %dma_wait3A_562 = arith.constant 0 : i32
    %dma_wait3A_563 = arith.constant 0 : i32
    %dma_wait3A_564 = tpu.memref_slice %arg6[%dma_wait3A_561, %dma_wait3A_562, %dma_wait3A_563] : memref<5x128x128xf32, #tpu.memory_space<vmem>> -> memref<1x128x128xf32, #tpu.memory_space<vmem>>
    %dma_wait3A_565 = tpu.memref_squeeze %dma_wait3A_564 : memref<1x128x128xf32, #tpu.memory_space<vmem>> -> memref<128x128xf32, #tpu.memory_space<vmem>>
    %dma_wait3A_566 = arith.constant 0 : i32
    %dma_wait3A_567 = arith.constant 0 : i32
    %dma_wait3A_568 = tpu.memref_slice %arg4[%dma_wait3A_566, %dma_wait3A_567] : memref<819200x128xf32, #tpu.memory_space<hbm>> -> memref<128x128xf32, #tpu.memory_space<hbm>>
    %dma_wait3A_569 = arith.constant 0 : i32
    %dma_wait3A_570 = arith.constant 0 : i32
    %dma_wait3A_571 = tpu.memref_slice %arg4[%dma_wait3A_569, %dma_wait3A_570] : memref<819200x128xf32, #tpu.memory_space<hbm>> -> memref<128x128xf32, #tpu.memory_space<hbm>>
    %dma_wait3A_572 = arith.constant 0 : i32
    %dma_wait3A_573 = arith.constant 0 : i32
    %dma_wait3A_574 = tpu.memref_slice %arg6[%dma_wait3A_561, %dma_wait3A_572, %dma_wait3A_573] : memref<5x128x128xf32, #tpu.memory_space<vmem>> -> memref<1x128x128xf32, #tpu.memory_space<vmem>>
    %dma_wait3A_575 = tpu.memref_squeeze %dma_wait3A_574 : memref<1x128x128xf32, #tpu.memory_space<vmem>> -> memref<128x128xf32, #tpu.memory_space<vmem>>
    tpu.wait_dma2 semaphore(%arg16 : memref<!tpu.dma_semaphore, #tpu.memory_space<semaphore_mem>>) src(%dma_wait3A_575 : memref<128x128xf32, #tpu.memory_space<vmem>>) dst(%dma_wait3A_571 : memref<128x128xf32, #tpu.memory_space<hbm>>)
    return
  }
}

</mosaic_0001>

<sc_bundles>
// kernel: kernel.3.cloned.1.call-start
scs
__scs_entry_jumppad:
0x0: {  	(pc) =	sbr.rel $0x88, $3  }
0x1: {  	(tag) =	ssettag $0x0;
	lr =	simm.s32 $0x1  }
0x2: {  	[smem:$0x3F9F] =	sst lr;
	_ =	strace $0xD0000000  }
0x3: {  	_ = 	snop  }
0x4: {  	_ = 	snop  }
0x5: {  	_ = 	snop  }
0x6: {  	_ = 	snop  }
0x7: {  	_ = 	snop  }
__scs_overlays_trampoline_lowered:
0x8: {  	[smem:$0x3FAE] =	sst s0  }
0x9: {  	[smem:$0x3FAF] =	sst s1  }
0xa: {  	[smem:$0x3FB0] =	sst s2  }
0xb: {  	[smem:$0x3FB1] =	sst s3  }
0xc: {  	[smem:$0x3FB2] =	sst s4  }
0xd: {  	[smem:$0x3FB3] =	sst s5  }
0xe: {  	[smem:$0x3FB4] =	sst s6  }
0xf: {  	[smem:$0x3FB5] =	sst s7  }
0x10: {  	[smem:$0x3FB6] =	sst s8  }
0x11: {  	[smem:$0x3FB7] =	sst s9;
	s0 =	simm.s32 @!p0 $0x0  }
0x12: {  	s1 =	sld [smem:$0x3F9D];
	s0 =	simm.s32 @p0 $0x1  }
0x13: {  	[smem:$0x3FB8] =	sst s0;
	s0 =	simm.s32 @!p1 $0x0  }
0x14: {  	s2 =	sld [smem:$0x3F9C];
	s0 =	simm.s32 @p1 $0x1  }
0x15: {  	[smem:$0x3FB9] =	sst s0;
	s0 =	simm.s32 @!p2 $0x0  }
0x16: {  	s3 =	sld [smem:$0x3FDB];
	s0 =	simm.s32 @p2 $0x1  }
0x17: {  	s4 =	simm.s32 $0x1BF5;
	[smem:$0x3FBB] =	sst s0  }
0x18: {  	s0 =	sld [smem:$0x3F9E];
	_ =	swait.ge [sflag:s4], $0x0  }
0x19: {  	s7 =	sld [smem:$0x3F9F]  }
0x1a: {  	s8 =	sadd.s32 $0xFFFFE003, lr  }
0x1b: {  	s9 =	sadd.s32 $0xFFFFFEF7, lr;
	s5 =	simm.s32 $0xFFFFFFFF;
	p2 =	slt.u32 s8, $0xFFFFF086  }
0x1c: {  	p1 =	slt.u32 s9, $0xF7A;
	s5 =	simm.s32 @!p2 $0x0  }
0x1d: {  	s5 =	simm.s32 @p1 $0x1;
	p0 =	seq.s32 s7, s2  }
0x1e: {  	s7 =	smul.u32 @!p0 $0xF7A, s2;
	p2 =	seq.s32 @!p0 s5, $0x0  }
0x1f: {  	s9 =	smul.u32 $0xF7A, s1;
	s8 =	simm.s32 @!p0 $0x1BF5;
	p2 =	por !p2, p0  }
0x20: {  	[sflag:s8] =	ssyncset.s32 @!p0 $0xFFFFF086;
	s6 =	sadd.s32 @!p0 s3, s7;
	s7 =	simm.s32 @!p0 $0x108  }
0x21: {  	s3 =	sadd.s32 s3, s9;
	s6 =	sadd.s32 @!p0 $0x88, s6;
	s7 =	simm.s32 @p2 $0x1082  }
0x22: {  	[simem:s7], [sflag:s8] =	dma.local @!p0 [hbm:s6], $0xF7A  }
0x23: {  	s9 =	sor.u32 $0xD0000000, s2;
	s6 =	simm.s32 $0x108;
	_ =	swait.ge @!p0 [sflag:s8], $0x0  }
0x24: {  	s3 =	sadd.s32 $0x88, s3;
	s6 =	simm.s32 @!p1 $0x1082;
	[sflag:s4] =	ssyncset.s32 $0xFFFFF086  }
0x25: {  	[simem:s6], [sflag:s4] =	dma.local [hbm:s3], $0xF7A  }
0x26: {  	[smem:$0x3F9F] =	sst s1;
	(tag) =	ssettag s2;
	_ =	strace s9  }
0x27: {  	s1 =	sld [smem:$0x3FAF]  }
0x28: {  	s2 =	sld [smem:$0x3FB0]  }
0x29: {  	s4 =	sld [smem:$0x3FB2]  }
0x2a: {  	p0 =	seq.s32 s5, $0x0;
	s5 =	sld [smem:$0x3FB3]  }
0x2b: {  	s6 =	sld [smem:$0x3FB4]  }
0x2c: {  	s7 =	sld [smem:$0x3FB5]  }
0x2d: {  	s3 =	simm.s32 $0x108;
	s8 =	sld [smem:$0x3FB6]  }
0x2e: {  	s3 =	simm.s32 @!p0 $0x1082;
	s9 =	sld [smem:$0x3FB7]  }
0x2f: {  	lr =	sadd.s32 s0, s3;
	s0 =	sld [smem:$0x3FAE]  }
0x30: {  	s3 =	sld [smem:$0x3FB1]  }
0x31: {  	[smem:$0x3FBA] =	sst s10  }
0x32: {  	s10 =	sld [smem:$0x3FB8];
	_ =	sdelay $0x3  }
0x33: {  	p0 =	seq.s32 s10, $0x1;
	s10 =	sld [smem:$0x3FBA];
	_ =	sdelay $0x3  }
0x34: {  	[smem:$0x3FBA] =	sst s10  }
0x35: {  	s10 =	sld [smem:$0x3FB9];
	_ =	sdelay $0x3  }
0x36: {  	p1 =	seq.s32 s10, $0x1;
	s10 =	sld [smem:$0x3FBA];
	_ =	sdelay $0x3  }
0x37: {  	[smem:$0x3FBA] =	sst s10  }
0x38: {  	s10 =	sld [smem:$0x3FBB]  }
0x39: {  	_ = 	snop;
	(pc) =	sbr.ind lr, $3  }
0x3a: {  	_ = 	snop  }
0x3b: {  	_ = 	snop  }
0x3c: {  	p2 =	seq.s32 s10, $0x1;
	s10 =	sld [smem:$0x3FBA]  }
0x3d: {  	_ =	shalt  }
0x3e: {  	_ =	shalt  }
0x3f: {  	_ =	shalt  }
0x40: {  	_ =	shalt  }
0x41: {  	_ =	shalt  }
0x42: {  	_ =	shalt  }
0x43: {  	_ =	shalt  }
0x44: {  	_ =	shalt  }
0x45: {  	_ =	shalt  }
0x46: {  	_ =	shalt  }
0x47: {  	_ =	shalt  }
0x48: {  	_ =	shalt  }
0x49: {  	_ =	shalt  }
0x4a: {  	_ =	shalt  }
0x4b: {  	_ =	shalt  }
0x4c: {  	_ =	shalt  }
0x4d: {  	_ =	shalt  }
0x4e: {  	_ =	shalt  }
0x4f: {  	_ =	shalt  }
0x50: {  	_ =	shalt  }
0x51: {  	_ =	shalt  }
0x52: {  	_ =	shalt  }
0x53: {  	_ =	shalt  }
0x54: {  	_ =	shalt  }
0x55: {  	_ =	shalt  }
0x56: {  	_ =	shalt  }
0x57: {  	_ =	shalt  }
0x58: {  	_ =	shalt  }
0x59: {  	_ =	shalt  }
0x5a: {  	_ =	shalt  }
0x5b: {  	_ =	shalt  }
0x5c: {  	_ =	shalt  }
0x5d: {  	_ =	shalt  }
0x5e: {  	_ =	shalt  }
0x5f: {  	_ =	shalt  }
0x60: {  	_ =	shalt  }
0x61: {  	_ =	shalt  }
0x62: {  	_ =	shalt  }
0x63: {  	_ =	shalt  }
0x64: {  	_ =	shalt  }
0x65: {  	_ =	shalt  }
0x66: {  	_ =	shalt  }
0x67: {  	_ =	shalt  }
0x68: {  	_ =	shalt  }
0x69: {  	_ =	shalt  }
0x6a: {  	_ =	shalt  }
0x6b: {  	_ =	shalt  }
0x6c: {  	_ =	shalt  }
0x6d: {  	_ =	shalt  }
0x6e: {  	_ =	shalt  }
0x6f: {  	_ =	shalt  }
0x70: {  	_ =	shalt  }
0x71: {  	_ =	shalt  }
0x72: {  	_ =	shalt  }
0x73: {  	_ =	shalt  }
0x74: {  	_ =	shalt  }
0x75: {  	_ =	shalt  }
0x76: {  	_ =	shalt  }
0x77: {  	_ =	shalt  }
0x78: {  	_ =	shalt  }
0x79: {  	_ =	shalt  }
0x7a: {  	_ =	shalt  }
0x7b: {  	_ =	shalt  }
0x7c: {  	_ =	shalt  }
0x7d: {  	_ =	shalt  }
0x7e: {  	_ =	shalt  }
0x7f: {  	_ =	shalt  }
0x80: {  	_ =	shalt  }
0x81: {  	_ =	shalt  }
0x82: {  	_ =	shalt  }
0x83: {  	_ =	shalt  }
0x84: {  	_ =	shalt  }
0x85: {  	_ =	shalt  }
0x86: {  	_ =	shalt  }
0x87: {  	_ =	shalt  }
.Lfunc_end0:
.L_simem_size_0:
called_computation_lowered:
.L_overlay_start_0:
0x88: {  	s2 =	sld [smem:$0x3FD9]  }
0x89: {  	s3 =	sld [smem:$0x3FFE];
	_ =	sdelay $0x1  }
0x8a: {  	s1 =	srdreg.scid  }
0x8b: {  	s0 =	sand.u32 $0x1, s1  }
0x8c: {  	s17 =	sshll.u32 s0, $0xA;
	s2 =	sadd.s32 s3, s2  }
0x8d: {  	s2 =	sadd.s32 s2, s17  }
0x8e: {  	[smem:$0x3FC6] =	sst s2  }
0x8f: {  	_ = 	snop  }
0x90: {  	s2 =	sld [smem:$0x3FC8]  }
0x91: {  	s18 =	sld [smem:$0x3FD0];
	(tm) =	ssettm $0x1  }
0x92: {  	s4 =	sld [smem:$0x3FFB];
	_ =	sdelay $0x3  }
0x93: {  	_ =	strace s4  }
0x94: {  	s4 =	sld [smem:$0x3FFC];
	_ =	sdelay $0x3  }
0x95: {  	_ =	strace s4  }
0x96: {  	s4 =	sld [smem:$0x3FFD];
	_ =	sdelay $0x3  }
0x97: {  	_ =	strace s4  }
0x98: {  	_ =	strace $0x8FFFFFFF  }
0x99: {  	s19 =	sld [smem:$0x3FDB];
	_ =	sdelay $0x1  }
0x9a: {  	s5 =	simm.s32 $_scs_section_size  }
0x9b: {  	s6 =	simm.s32 $_size__tile_overlayer_lowered;
	s7 =	simm.s32 $_tile_overlayer_lowered  }
0x9c: {  	s22 =	simm.s32 $0x1BFF;
	s21 =	sshll.u32 s7, $0x1;
	s4 =	sadd.s32 s5, s19  }
0x9d: {  	s8 =	simm.s32 $0x0;
	s20 =	sshll.u32 s6, $0x1;
	s6 =	sadd.s32 s21, s4  }
0x9e: {  	[timem:s8], [sflag:s22] =	dma.local [hbm:s6], s20  }
0x9f: {  	_ =	swait.ge [sflag:s22], s20  }
0xa0: {  	s5 =	ssub.s32 $0x0, s20;
	[sflag:s22] =	ssyncset.done $0x0  }
0xa1: {  	[sflag:s22] =	ssyncadd.s32 s5;
	_ =	sdelay $0x1  }
0xa2: {  	s23 =	simm.s32 $0x1B8B  }
0xa3: {  	_ =	swait.ge [sflag:s23], $0x1  }
0xa4: {  	[sflag:s23] =	ssyncset.done $0x0  }
0xa5: {  	s25 =	simm.s32 $0x1B8E;
	s24 =	sld [smem:$0x3FFE];
	[sflag:s23] =	ssyncadd.s32 $0xFFFFFFFF  }
0xa6: {  	s26 =	simm.s32 $execute0_lowered;
	[smem:$0x3FD2] =	sst s25  }
0xa7: {  	s6 =	sshll.u32 s26, $0x1;
	_ =	strace $0x80000046;
	[dreg:$0x1] =	wrdreg $0xFFFFFFFF  }
0xa8: {  	s28 =	simm.s32 $_size_execute0_lowered;
	s4 =	sadd.s32 s4, s6;
	[dreg:$0x0] =	wrdreg $0x0  }
0xa9: {  	s6 =	sshll.u32 s28, $0x1;
	[dreg:$0x2] =	wrdreg s4  }
0xaa: {  	[dreg:$0x3] =	wrdreg s6  }
0xab: {  	[dreg:$0x4] =	wrdreg $0xC0  }
0xac: {  	_ =	task [dreg:s8], $0x5FFFF  }
0xad: {  	[dreg:$0x1] =	wrdreg $0xFFFFFFFF  }
0xae: {  	[dreg:$0x0] =	wrdreg $0x60  }
0xaf: {  	[dreg:$0x2] =	wrdreg s24  }
0xb0: {  	[dreg:$0x3] =	wrdreg s2  }
0xb1: {  	[dreg:$0x4] =	wrdreg s18  }
0xb2: {  	[dreg:$0x5] =	wrdreg $0x9  }
0xb3: {  	_ =	task.clear_ibuf [dreg:s8], $0x6FFFF;
	_ =	strace $0x90000046  }
0xb4: {  	s29 =	simm.s32 $0x9;
	_ =	strace $0x80000048  }
0xb5: {  	_ =	swait.ge [sflag:s29], $0x1  }
0xb6: {  	[sflag:s29] =	ssyncadd.s32 $0xFFFFFFFF  }
0xb7: {  	_ =	strace $0x90000048  }
0xb8: {  	_ =	sfence  }
0xb9: {  	s30 =	sld [smem:$0x0];
	_ =	sdelay $0x2  }
0xba: {  	s31 =	sshll.u32 s1, $0xD;
	s1 =	sshrl.u32 s1, $0x2  }
0xbb: {  	s3 =	sand.u32 $0x4000, s31;
	s1 =	sadd.s32 s1, s30  }
0xbc: {  	s0 =	sor.u32 s3, s0;
	s1 =	sshll.u32 s1, $0x11  }
0xbd: {  	s0 =	sor.u32 s1, s0  }
0xbe: {  	s0 =	sadd.s32 $0x8F2B, s0  }
0xbf: {  	[sflag:s0] =	ssyncadd.remote.s32 $0x1  }
0xc0: {  	_ =	sfence.sel $0xFFFF  }
0xc1: {  	[dreg:$0x0] =	wrdreg $0xFFFFFFFF;
	(pc) =	sbr.abs _section_cstart, $3  }
0xc2: {  	[dreg:$0x1] =	wrdreg $0xFFFFFFFF  }
0xc3: {  	_ =	task.clear_ibuf [dreg:s8], $0x2FFFF;
	_ =	strace $0x9FFFFFFF  }
0xc4: {  	(tm) =	ssettm $0x7FFFFFFF  }
0xc5: {  	_ =	shalt  }
tec
execute0_lowered:
.L_overlay_start_1:
0x0: {  	(tag) =	ssettag $0x1  }
0x1: {  	s1 =	rddreg [dreg:$0x0]  }
0x2: {  	s0 =	srdreg.scid;
	s2 =	rddreg [dreg:$0x1]  }
0x3: {  	s10 =	stileid.u32;
	s6 =	rddreg [dreg:$0x2]  }
0x4: {  	s17 =	simm.s32 $0xB;
	s18 =	simm.s32 $0x80;
	s28 =	simm.s32 $0x3  }
0x5: {  	s0 =	sand.u32 $0x1, s0;
	s3 =	sshll.u32 s10, $0x1;
	s25 =	smul.u32 $0xC8000, s10  }
0x6: {  	s5 =	sor.u32 s0, s3;
	s8 =	ssub.s32 $0x2, s0;
	s0 =	smul.u32 $0x64000, s0  }
0x7: {  	s30 =	simm.s32 $0x16400;
	s31 =	simm.s32 $0x4;
	s4 =	smul.u32 $0x6400, s5  }
0x8: {  	s29 =	simm.s32 $0x9;
	s3 =	simm.s32 $0x0;
	s7 =	smul.u32 $0x64000, s5  }
0x9: {  	[smem:$0x7FF] =	sst s3;
	s9 =	sshrl.u32 s8, $0x1;
	s5 =	smul.u32 $0x320000, s5  }
0xa: {  	_ =	strace $0x80000047;
	s19 =	ssub.s32 s8, s9;
	s4 =	sshrl.u32 s4, $0x3  }
0xb: {  	s23 =	sshrl.u32 s5, $0x3;
	s5 =	sadd.s32 s25, s6;
	s1 =	sadd.s32 s4, s1  }
0xc: {  	s15 =	smax.u32 s19, $0x1;
	s4 =	sadd.s32 s6, s7;
	s1 =	sadd.s32 $0x400, s1  }
0xd: {  	s19 =	simm.s32 $0x6400;
	s20 =	sadd.s32 $0x800, s4;
	[dreg:$0x4] =	wrdreg s1  }
0xe: {  	s25 =	simm.s32 $0x7;
	s21 =	sadd.s32 $0x1000, s4;
	[dreg:$0x5] =	wrdreg s20  }
0xf: {  	s0 =	sadd.s32 s0, s5;
	s22 =	sadd.s32 $0x1800, s4;
	[dreg:$0x6] =	wrdreg s21  }
0x10: {  	s5 =	simm.s32 $0xA;
	s24 =	sadd.s32 $0x2000, s4;
	[dreg:$0x7] =	wrdreg s22  }
0x11: {  	s16 =	sadd.s32 $0x4800, s0;
	s0 =	simm.s32 $0x8;
	[dreg:$0x8] =	wrdreg s24  }
0x12: {  	s1 =	sadd.s32 s6, s23;
	s20 =	simm.s32 $0xA400;
	s21 =	simm.s32 $0x1  }
0x13: {  	s23 =	simm.s32 $0xE400;
	s24 =	simm.s32 $0x2;
	s22 =	simm.s32 $0x5  }
0x14: {  	s6 =	simm.s32 $0x0;
	s26 =	sadd.s32 $0x61800, s1;
	s11 =	sadd.s32 $0x62000, s1  }
0x15: {  	s12 =	sadd.s32 $0x62800, s1;
	s13 =	sadd.s32 $0x63000, s1;
	s14 =	sadd.s32 $0x63800, s1  }
0x16: {  	s1 =	simm.s32 $0x6;
	[dreg:$0x9] =	wrdreg s26;
	s26 =	simm.s32 $0x12400  }
.LBB2_1:
0x17: {  	s7 =	rddreg [dreg:$0x4]  }
0x18: {  	[tilespmem:s3], [sflag:$0xB] =	stream.linear.gather [hbm4b:s7+s3], $0x6400, $0x38;
	[tilespmem:$0x1A400] =	vst v63  }
0x19: {  	_ =	swait.ge [sflag:s17], $0x6400  }
0x1a: {  	[sflag:s17] =	ssyncset.done $0x0  }
0x1b: {  	[sflag:s17] =	ssyncadd.s32 $0xFFFF9C00  }
0x1c: {  	[tilespmem:s19], [sflag:$0x1] =	stream.indirect.gather [hbm4b:s2+s18], $0x80, s3, s18, $0xb8;
	[tilespmem:$0x1A400] =	vst v63  }
0x1d: {  	_ = 	snop  }
0x1e: {  	[tilespmem:s20], [sflag:$0x2] =	stream.indirect.gather [hbm4b:s2+s18], $0x80, s18, s18, $0xb8;
	[tilespmem:$0x1A400] =	vst v63  }
0x1f: {  	_ =	swait.ge [sflag:s21], $0x4000  }
0x20: {  	[sflag:s21] =	ssyncset.done $0x0  }
0x21: {  	[sflag:s21] =	ssyncadd.s32 $0xFFFFC000  }
0x22: {  	[hbm4b:s4+s3] =	stream.linear.scatter [tilespmem:s19], [sflag:$0x6], $0x4000, $0x38;
	[tilespmem:$0x1A400] =	vst v63  }
0x23: {  	s9 =	simm.s32 $0x100  }
0x24: {  	[tilespmem:s23], [sflag:$0x3] =	stream.indirect.gather [hbm4b:s2+s18], $0x80, s9, s18, $0xb8;
	[tilespmem:$0x1A400] =	vst v63  }
0x25: {  	_ =	swait.ge [sflag:s24], $0x4000  }
0x26: {  	[sflag:s24] =	ssyncset.done $0x0  }
0x27: {  	s10 =	rddreg [dreg:$0x5];
	[sflag:s24] =	ssyncadd.s32 $0xFFFFC000  }
0x28: {  	[hbm4b:s10+s3] =	stream.linear.scatter [tilespmem:s20], [sflag:$0x7], $0x4000, $0x38;
	[tilespmem:$0x1A400] =	vst v63  }
0x29: {  	s8 =	simm.s32 $0x180  }
0x2a: {  	[tilespmem:s26], [sflag:$0x4] =	stream.indirect.gather [hbm4b:s2+s18], $0x80, s8, s18, $0xb8;
	[tilespmem:$0x1A400] =	vst v63  }
0x2b: {  	_ =	swait.ge [sflag:s28], $0x4000  }
0x2c: {  	[sflag:s28] =	ssyncset.done $0x0  }
0x2d: {  	s9 =	rddreg [dreg:$0x6];
	[sflag:s28] =	ssyncadd.s32 $0xFFFFC000  }
0x2e: {  	[hbm4b:s9+s3] =	stream.linear.scatter [tilespmem:s23], [sflag:$0x8], $0x4000, $0x38;
	[tilespmem:$0x1A400] =	vst v63  }
0x2f: {  	s10 =	simm.s32 $0x200  }
0x30: {  	[tilespmem:s30], [sflag:$0x5] =	stream.indirect.gather [hbm4b:s2+s18], $0x80, s10, s18, $0xb8;
	[tilespmem:$0x1A400] =	vst v63  }
0x31: {  	_ =	swait.ge [sflag:s31], $0x4000  }
0x32: {  	[sflag:s31] =	ssyncset.done $0x0  }
0x33: {  	s8 =	rddreg [dreg:$0x7];
	[sflag:s31] =	ssyncadd.s32 $0xFFFFC000  }
0x34: {  	[hbm4b:s8+s3] =	stream.linear.scatter [tilespmem:s26], [sflag:$0x9], $0x4000, $0x38;
	[tilespmem:$0x1A400] =	vst v63  }
0x35: {  	_ =	swait.ge [sflag:s1], $0x4000  }
0x36: {  	[sflag:s1] =	ssyncset.done $0x0  }
0x37: {  	s9 =	simm.s32 $0x280;
	[sflag:s1] =	ssyncadd.s32 $0xFFFFC000  }
0x38: {  	[tilespmem:s19], [sflag:$0x1] =	stream.indirect.gather [hbm4b:s2+s18], $0x80, s9, s18, $0xb8;
	[tilespmem:$0x1A400] =	vst v63  }
0x39: {  	_ =	swait.ge [sflag:s22], $0x4000  }
0x3a: {  	[sflag:s22] =	ssyncset.done $0x0  }
0x3b: {  	s10 =	rddreg [dreg:$0x8];
	[sflag:s22] =	ssyncadd.s32 $0xFFFFC000  }
0x3c: {  	[hbm4b:s10+s3] =	stream.linear.scatter [tilespmem:s30], [sflag:$0xA], $0x4000, $0x38;
	[tilespmem:$0x1A400] =	vst v63  }
0x3d: {  	_ =	swait.ge [sflag:s25], $0x4000  }
0x3e: {  	[sflag:s25] =	ssyncset.done $0x0  }
0x3f: {  	s8 =	simm.s32 $0x300;
	[sflag:s25] =	ssyncadd.s32 $0xFFFFC000  }
0x40: {  	[tilespmem:s20], [sflag:$0x2] =	stream.indirect.gather [hbm4b:s2+s18], $0x80, s8, s18, $0xb8;
	[tilespmem:$0x1A400] =	vst v63  }
0x41: {  	_ =	swait.ge [sflag:s21], $0x4000  }
0x42: {  	[sflag:s21] =	ssyncset.done $0x0  }
0x43: {  	s9 =	sadd.s32 $0xFFFFE000, s16;
	[sflag:s21] =	ssyncadd.s32 $0xFFFFC000  }
0x44: {  	[hbm4b:s9+s3] =	stream.linear.scatter [tilespmem:s19], [sflag:$0x6], $0x4000, $0x38;
	[tilespmem:$0x1A400] =	vst v63  }
0x45: {  	_ =	swait.ge [sflag:s0], $0x4000  }
0x46: {  	[sflag:s0] =	ssyncset.done $0x0  }
0x47: {  	s10 =	simm.s32 $0x380;
	[sflag:s0] =	ssyncadd.s32 $0xFFFFC000  }
0x48: {  	[tilespmem:s23], [sflag:$0x3] =	stream.indirect.gather [hbm4b:s2+s18], $0x80, s10, s18, $0xb8;
	[tilespmem:$0x1A400] =	vst v63  }
0x49: {  	_ =	swait.ge [sflag:s24], $0x4000  }
0x4a: {  	[sflag:s24] =	ssyncset.done $0x0  }
0x4b: {  	s8 =	sadd.s32 $0xFFFFE800, s16;
	[sflag:s24] =	ssyncadd.s32 $0xFFFFC000  }
0x4c: {  	[hbm4b:s8+s3] =	stream.linear.scatter [tilespmem:s20], [sflag:$0x7], $0x4000, $0x38;
	[tilespmem:$0x1A400] =	vst v63  }
0x4d: {  	_ =	swait.ge [sflag:s29], $0x4000  }
0x4e: {  	[sflag:s29] =	ssyncset.done $0x0  }
0x4f: {  	s9 =	simm.s32 $0x400;
	[sflag:s29] =	ssyncadd.s32 $0xFFFFC000  }
0x50: {  	[tilespmem:s26], [sflag:$0x4] =	stream.indirect.gather [hbm4b:s2+s18], $0x80, s9, s18, $0xb8;
	[tilespmem:$0x1A400] =	vst v63  }
0x51: {  	_ =	swait.ge [sflag:s28], $0x4000  }
0x52: {  	[sflag:s28] =	ssyncset.done $0x0  }
0x53: {  	s10 =	sadd.s32 $0xFFFFF000, s16;
	[sflag:s28] =	ssyncadd.s32 $0xFFFFC000  }
0x54: {  	[hbm4b:s10+s3] =	stream.linear.scatter [tilespmem:s23], [sflag:$0x8], $0x4000, $0x38;
	[tilespmem:$0x1A400] =	vst v63  }
0x55: {  	_ =	swait.ge [sflag:s5], $0x4000  }
0x56: {  	[sflag:s5] =	ssyncset.done $0x0  }
0x57: {  	s8 =	simm.s32 $0x480;
	[sflag:s5] =	ssyncadd.s32 $0xFFFFC000  }
0x58: {  	[tilespmem:s30], [sflag:$0x5] =	stream.indirect.gather [hbm4b:s2+s18], $0x80, s8, s18, $0xb8;
	[tilespmem:$0x1A400] =	vst v63  }
0x59: {  	_ =	swait.ge [sflag:s31], $0x4000  }
0x5a: {  	[sflag:s31] =	ssyncset.done $0x0  }
0x5b: {  	s9 =	sadd.s32 $0xFFFFF800, s16;
	[sflag:s31] =	ssyncadd.s32 $0xFFFFC000  }
0x5c: {  	[hbm4b:s9+s3] =	stream.linear.scatter [tilespmem:s26], [sflag:$0x9], $0x4000, $0x38;
	[tilespmem:$0x1A400] =	vst v63  }
0x5d: {  	_ =	swait.ge [sflag:s1], $0x4000  }
0x5e: {  	[sflag:s1] =	ssyncset.done $0x0  }
0x5f: {  	s10 =	simm.s32 $0x500;
	[sflag:s1] =	ssyncadd.s32 $0xFFFFC000  }
0x60: {  	[tilespmem:s19], [sflag:$0x1] =	stream.indirect.gather [hbm4b:s2+s18], $0x80, s10, s18, $0xb8;
	[tilespmem:$0x1A400] =	vst v63  }
0x61: {  	_ =	swait.ge [sflag:s22], $0x4000  }
0x62: {  	[sflag:s22] =	ssyncset.done $0x0  }
0x63: {  	[sflag:s22] =	ssyncadd.s32 $0xFFFFC000  }
0x64: {  	[hbm4b:s16+s3] =	stream.linear.scatter [tilespmem:s30], [sflag:$0xA], $0x4000, $0x38;
	[tilespmem:$0x1A400] =	vst v63  }
0x65: {  	_ =	swait.ge [sflag:s25], $0x4000  }
0x66: {  	s7 =	simm.s32 $0xA00;
	[sflag:s25] =	ssyncset.done $0x0  }
0x67: {  	s8 =	sadd.s32 $0x2800, s16;
	s9 =	simm.s32 $0x580;
	[sflag:s25] =	ssyncadd.s32 $0xFFFFC000  }
.LBB2_2:
0x68: {  	[tilespmem:s20], [sflag:$0x2] =	stream.indirect.gather [hbm4b:s2+s18], $0x80, s9, s18, $0xb8;
	[tilespmem:$0x1A400] =	vst v63  }
0x69: {  	s9 =	smov.u32 s7  }
0x6a: {  	p0 =	sne.s32 s7, $0x17200;
	s7 =	sadd.s32 $0xA00, s7;
	_ =	swait.ge [sflag:s21], $0x4000  }
0x6b: {  	[sflag:s21] =	ssyncset.done $0x0  }
0x6c: {  	s10 =	sadd.s32 $0xFFFFE000, s8;
	[sflag:s21] =	ssyncadd.s32 $0xFFFFC000  }
0x6d: {  	[hbm4b:s10+s3] =	stream.linear.scatter [tilespmem:s19], [sflag:$0x6], $0x4000, $0x38;
	[tilespmem:$0x1A400] =	vst v63  }
0x6e: {  	_ =	swait.ge [sflag:s0], $0x4000  }
0x6f: {  	s9 =	sshra.s32 s9, $0x2;
	[sflag:s0] =	ssyncset.done $0x0  }
0x70: {  	s10 =	sadd.s32 $0x380, s9;
	[sflag:s0] =	ssyncadd.s32 $0xFFFFC000  }
0x71: {  	[tilespmem:s23], [sflag:$0x3] =	stream.indirect.gather [hbm4b:s2+s18], $0x80, s10, s18, $0xb8;
	[tilespmem:$0x1A400] =	vst v63  }
0x72: {  	_ =	swait.ge [sflag:s24], $0x4000  }
0x73: {  	[sflag:s24] =	ssyncset.done $0x0  }
0x74: {  	s10 =	sadd.s32 $0xFFFFE800, s8;
	[sflag:s24] =	ssyncadd.s32 $0xFFFFC000  }
0x75: {  	[hbm4b:s10+s3] =	stream.linear.scatter [tilespmem:s20], [sflag:$0x7], $0x4000, $0x38;
	[tilespmem:$0x1A400] =	vst v63  }
0x76: {  	_ =	swait.ge [sflag:s29], $0x4000  }
0x77: {  	[sflag:s29] =	ssyncset.done $0x0  }
0x78: {  	s10 =	sadd.s32 $0x400, s9;
	[sflag:s29] =	ssyncadd.s32 $0xFFFFC000  }
0x79: {  	[tilespmem:s26], [sflag:$0x4] =	stream.indirect.gather [hbm4b:s2+s18], $0x80, s10, s18, $0xb8;
	[tilespmem:$0x1A400] =	vst v63  }
0x7a: {  	_ =	swait.ge [sflag:s28], $0x4000  }
0x7b: {  	[sflag:s28] =	ssyncset.done $0x0  }
0x7c: {  	s10 =	sadd.s32 $0xFFFFF000, s8;
	[sflag:s28] =	ssyncadd.s32 $0xFFFFC000  }
0x7d: {  	[hbm4b:s10+s3] =	stream.linear.scatter [tilespmem:s23], [sflag:$0x8], $0x4000, $0x38;
	[tilespmem:$0x1A400] =	vst v63  }
0x7e: {  	_ =	swait.ge [sflag:s5], $0x4000  }
0x7f: {  	[sflag:s5] =	ssyncset.done $0x0  }
0x80: {  	s10 =	sadd.s32 $0x480, s9;
	[sflag:s5] =	ssyncadd.s32 $0xFFFFC000  }
0x81: {  	[tilespmem:s30], [sflag:$0x5] =	stream.indirect.gather [hbm4b:s2+s18], $0x80, s10, s18, $0xb8;
	[tilespmem:$0x1A400] =	vst v63  }
0x82: {  	_ =	swait.ge [sflag:s31], $0x4000  }
0x83: {  	[sflag:s31] =	ssyncset.done $0x0  }
0x84: {  	s10 =	sadd.s32 $0xFFFFF800, s8;
	[sflag:s31] =	ssyncadd.s32 $0xFFFFC000  }
0x85: {  	[hbm4b:s10+s3] =	stream.linear.scatter [tilespmem:s26], [sflag:$0x9], $0x4000, $0x38;
	[tilespmem:$0x1A400] =	vst v63  }
0x86: {  	_ =	swait.ge [sflag:s1], $0x4000  }
0x87: {  	[sflag:s1] =	ssyncset.done $0x0  }
0x88: {  	s10 =	sadd.s32 $0x500, s9;
	[sflag:s1] =	ssyncadd.s32 $0xFFFFC000  }
0x89: {  	[tilespmem:s19], [sflag:$0x1] =	stream.indirect.gather [hbm4b:s2+s18], $0x80, s10, s18, $0xb8;
	[tilespmem:$0x1A400] =	vst v63  }
0x8a: {  	_ =	swait.ge [sflag:s22], $0x4000  }
0x8b: {  	[sflag:s22] =	ssyncset.done $0x0  }
.Ltmp0:
0x8c: {  	[sflag:s22] =	ssyncadd.s32 $0xFFFFC000;
	(pc) =	sbr.rel @p0 .LBB2_2-.Ltmp0, $4  }
0x8d: {  	[hbm4b:s8+s3] =	stream.linear.scatter [tilespmem:s30], [sflag:$0xA], $0x4000, $0x38;
	[tilespmem:$0x1A400] =	vst v63  }
0x8e: {  	_ =	swait.ge [sflag:s25], $0x4000  }
0x8f: {  	[sflag:s25] =	ssyncset.done $0x0  }
0x90: {  	s9 =	sadd.s32 $0x580, s9;
	s8 =	sadd.s32 $0x2800, s8;
	[sflag:s25] =	ssyncadd.s32 $0xFFFFC000  }
0x91: {  	[tilespmem:s20], [sflag:$0x2] =	stream.indirect.gather [hbm4b:s2+s18], $0x80, s9, s18, $0xb8;
	[tilespmem:$0x1A400] =	vst v63  }
0x92: {  	_ =	swait.ge [sflag:s21], $0x4000  }
0x93: {  	[sflag:s21] =	ssyncset.done $0x0  }
0x94: {  	s7 =	rddreg [dreg:$0x9];
	[sflag:s21] =	ssyncadd.s32 $0xFFFFC000  }
0x95: {  	[hbm4b:s7+s3] =	stream.linear.scatter [tilespmem:s19], [sflag:$0x6], $0x4000, $0x38;
	[tilespmem:$0x1A400] =	vst v63  }
0x96: {  	_ =	swait.ge [sflag:s0], $0x4000  }
0x97: {  	[sflag:s0] =	ssyncset.done $0x0  }
0x98: {  	s8 =	simm.s32 $0x6280;
	[sflag:s0] =	ssyncadd.s32 $0xFFFFC000  }
0x99: {  	[tilespmem:s23], [sflag:$0x3] =	stream.indirect.gather [hbm4b:s2+s18], $0x80, s8, s18, $0xb8;
	[tilespmem:$0x1A400] =	vst v63  }
0x9a: {  	_ =	swait.ge [sflag:s24], $0x4000  }
0x9b: {  	[sflag:s24] =	ssyncset.done $0x0  }
0x9c: {  	[sflag:s24] =	ssyncadd.s32 $0xFFFFC000  }
0x9d: {  	[hbm4b:s11+s3] =	stream.linear.scatter [tilespmem:s20], [sflag:$0x7], $0x4000, $0x38;
	[tilespmem:$0x1A400] =	vst v63  }
0x9e: {  	_ =	swait.ge [sflag:s29], $0x4000  }
0x9f: {  	[sflag:s29] =	ssyncset.done $0x0  }
0xa0: {  	s9 =	simm.s32 $0x6300;
	[sflag:s29] =	ssyncadd.s32 $0xFFFFC000  }
0xa1: {  	[tilespmem:s26], [sflag:$0x4] =	stream.indirect.gather [hbm4b:s2+s18], $0x80, s9, s18, $0xb8;
	[tilespmem:$0x1A400] =	vst v63  }
0xa2: {  	_ =	swait.ge [sflag:s28], $0x4000  }
0xa3: {  	[sflag:s28] =	ssyncset.done $0x0  }
0xa4: {  	[sflag:s28] =	ssyncadd.s32 $0xFFFFC000  }
0xa5: {  	[hbm4b:s12+s3] =	stream.linear.scatter [tilespmem:s23], [sflag:$0x8], $0x4000, $0x38;
	[tilespmem:$0x1A400] =	vst v63  }
0xa6: {  	_ =	swait.ge [sflag:s5], $0x4000  }
0xa7: {  	[sflag:s5] =	ssyncset.done $0x0  }
0xa8: {  	s10 =	simm.s32 $0x6380;
	[sflag:s5] =	ssyncadd.s32 $0xFFFFC000  }
0xa9: {  	[tilespmem:s30], [sflag:$0x5] =	stream.indirect.gather [hbm4b:s2+s18], $0x80, s10, s18, $0xb8;
	[tilespmem:$0x1A400] =	vst v63  }
0xaa: {  	_ =	swait.ge [sflag:s31], $0x4000  }
0xab: {  	[sflag:s31] =	ssyncset.done $0x0  }
0xac: {  	[sflag:s31] =	ssyncadd.s32 $0xFFFFC000  }
0xad: {  	[hbm4b:s13+s3] =	stream.linear.scatter [tilespmem:s26], [sflag:$0x9], $0x4000, $0x38;
	[tilespmem:$0x1A400] =	vst v63  }
0xae: {  	_ =	swait.ge [sflag:s22], $0x4000  }
0xaf: {  	[sflag:s22] =	ssyncset.done $0x0  }
0xb0: {  	[sflag:s22] =	ssyncadd.s32 $0xFFFFC000  }
0xb1: {  	[hbm4b:s14+s3] =	stream.linear.scatter [tilespmem:s30], [sflag:$0xA], $0x4000, $0x38;
	[tilespmem:$0x1A400] =	vst v63  }
0xb2: {  	_ =	swait.ge [sflag:s1], $0x4000  }
0xb3: {  	[sflag:s1] =	ssyncset.done $0x0  }
0xb4: {  	[sflag:s1] =	ssyncadd.s32 $0xFFFFC000  }
0xb5: {  	_ =	swait.ge [sflag:s25], $0x4000  }
0xb6: {  	[sflag:s25] =	ssyncset.done $0x0  }
0xb7: {  	[sflag:s25] =	ssyncadd.s32 $0xFFFFC000  }
0xb8: {  	_ =	swait.ge [sflag:s0], $0x4000  }
0xb9: {  	[sflag:s0] =	ssyncset.done $0x0  }
0xba: {  	s6 =	sadd.s32 $0x1, s6;
	[sflag:s0] =	ssyncadd.s32 $0xFFFFC000  }
0xbb: {  	p0 =	sne.s32 s6, s15;
	_ =	swait.ge [sflag:s29], $0x4000  }
.Ltmp1:
0xbc: {  	[sflag:s29] =	ssyncset.done $0x0;
	(pc) =	sbr.rel @p0 .LBB2_1-.Ltmp1, $4  }
0xbd: {  	[sflag:s29] =	ssyncadd.s32 $0xFFFFC000  }
0xbe: {  	_ =	swait.ge [sflag:s5], $0x4000  }
0xbf: {  	[sflag:s5] =	ssyncset.done $0x0  }
0xc0: {  	[sflag:s5] =	ssyncadd.s32 $0xFFFFC000  }
0xc1: {  	_ =	sfence.sel $0x180000  }
0xc2: {  	[bflag:$0x0] =	sbarrier.arrive $0xFFFF  }
0xc3: {  	_ =	strace $0x90000047  }
0xc4: {  	s0 =	stileid.u32;
	[bflag:$0x2] =	sbarrier.arrive $0xFFFF  }
0xc5: {  	p0 =	sne.s32 s0, $0x0;
	s0 =	rddreg [dreg:$0x3]  }
0xc6: {  	s0 =	sadd.s32 @!p0 $0x100000, s0  }
0xc7: {  	[sflag:s0] =	ssyncadd.tile.s32 @!p0 $0x1;
	_ =	shalt  }
.Lfunc_end2:
_tile_overlayer_lowered:
.L_overlay_start_2:
0xc8: {  	(tag) =	ssettag $0x2  }
0xc9: {  	s0 =	rddreg [dreg:$0x0];
	s2 =	stileid.u32  }
0xca: {  	s1 =	rddreg [dreg:$0x1];
	p0 =	sne.s32 s2, $0x0  }
0xcb: {  	s3 =	rddreg [dreg:$0x2];
	[bflag:$0x3] =	sbarrier.arrive $0xFFFF;
	s2 =	simm.s32 @!p0 $0x1C0B  }
0xcc: {  	[timem:s3], [sflag:s2] =	dma.local @!p0 [hbm:s0], s1  }
0xcd: {  	s0 =	simm.s32 @!p0 $0xB  }
0xce: {  	_ =	swait.ge @!p0 [sflag:s0], s1  }
0xcf: {  	s1 =	ssub.s32 @!p0 $0x0, s1;
	[sflag:s0] =	ssyncset.done @!p0 $0x0  }
0xd0: {  	[sflag:s0] =	ssyncadd.s32 @!p0 s1  }
0xd1: {  	[bflag:$0x3] =	sbarrier.arrive $0xFFFF  }
0xd2: {  	_ =	shalt  }

</sc_bundles>
